<compile_context>
chip_gen: v7x
topology: tpu7x:2x2x1
jax: 0.10.2.dev20260603
libtpu: 0.0.44.dev20260713+nightly
codegen_flags: <defaults>
</compile_context>

<pallas_src>
import functools

import jax
import jax.numpy as jnp
from jax import lax
from jax.experimental import pallas as pl
from jax.experimental.pallas import tpu as pltpu
from jax.experimental.pallas import tpu_sc as plsc

N = 10000
E = 320000
C = 128

NC = 2
NS = 16
L = 16
NW = NC * NS

B = 64
NBUF = 4
SB = 8
NB = 160
NSB = NB // SB
EP = NW * NB * B
NPAD = 10112
STRIPE = NPAD // NS


def _pre_body(h_ref, w_ref, asrc_ref, adst_ref, hp_ref, as_ref, ad_ref):
    hp = lax.dot_general(h_ref[...], w_ref[...],
                         (((1,), (1,)), ((), ())),
                         preferred_element_type=jnp.float32)
    hp_ref[...] = hp
    as_ref[...] = jnp.sum(hp * asrc_ref[...], axis=1, keepdims=True)
    ad_ref[...] = jnp.sum(hp * adst_ref[...], axis=1, keepdims=True)


def _post_body(acc_ref, den_ref, hp_ref, as_ref, ad_ref, bias_ref, out_ref):
    num = acc_ref[0:N, :] + acc_ref[NPAD:NPAD + N, :]
    den = jnp.sum(den_ref[0:N, :], axis=1, keepdims=True)
    x = as_ref[...] + ad_ref[...]
    w_self = jnp.exp(1.0 / (1.0 + jnp.exp(-x)))
    out_ref[...] = (num + w_self * hp_ref[...]) / (den + w_self) + bias_ref[...]


def _sc_body(hp_hbm, asp_hbm, adp_hbm, src_hbm, dst_hbm, acc_hbm, den_hbm,
             src_v, dst_v, wrow, den_v,
             gb0, gb1, gb2, gb3, as0, as1, as2, as3, ad0, ad1, ad2, ad3,
             accum, sem0, sem1, sem2, sem3):
    cid = lax.axis_index("c")
    sid = lax.axis_index("s")
    wid = cid * NS + sid
    gbufs = (gb0, gb1, gb2, gb3)
    asbs = (as0, as1, as2, as3)
    adbs = (ad0, ad1, ad2, ad3)
    sems = (sem0, sem1, sem2, sem3)
    gbuf0 = gb0

    zeros = jnp.zeros((L,), jnp.float32)

    def _zero_row(r, carry):
        for cc in range(C // L):
            gbuf0[r, pl.ds(cc * L, L)] = zeros
        return carry

    lax.fori_loop(0, B, _zero_row, 0)

    def _zero_den(i, carry):
        den_v[pl.ds(i * L, L)] = zeros
        return carry

    lax.fori_loop(0, NPAD // L, _zero_den, 0)

    base = sid * STRIPE
    for k in range(STRIPE // B):
        pltpu.sync_copy(gbuf0, accum.at[pl.ds(base + k * B, B)])
    rem = STRIPE - (STRIPE // B) * B
    pltpu.sync_copy(gbuf0.at[pl.ds(0, rem)],
                    accum.at[pl.ds(base + (STRIPE // B) * B, rem)])
    plsc.subcore_barrier()

    def _fire(jj, gbuf, asb, adb, sem):
        pltpu.async_copy(hp_hbm.at[src_v.at[jj]], gbuf, sem)
        pltpu.async_copy(asp_hbm.at[src_v.at[jj]], asb, sem)
        pltpu.async_copy(adp_hbm.at[dst_v.at[jj]], adb, sem)

    def _drain(gbuf, asb, adb, sem):
        pltpu.make_async_copy(hp_hbm.at[src_v.at[0]], gbuf, sem).wait()
        pltpu.make_async_copy(asp_hbm.at[src_v.at[0]], asb, sem).wait()
        pltpu.make_async_copy(adp_hbm.at[dst_v.at[0]], adb, sem).wait()

    def _process(jj, gbuf, asb, adb):
        for g in range(B // L):
            d16 = dst_v[jj, pl.ds(g * L, L)]
            x = asb[pl.ds(g * L, L)] + adb[pl.ds(g * L, L)]
            sg = 1.0 / (1.0 + jnp.exp(-x))
            w16 = jnp.exp(sg)
            wrow[pl.ds(g * L, L)] = w16
            plsc.addupdate_scatter(den_v, [d16], w16)

        def _scale_row(r, c2):
            wv = plsc.load_gather(wrow, [jnp.full((L,), r, jnp.int32)])
            for cc in range(C // L):
                gbuf[r, pl.ds(cc * L, L)] = gbuf[r, pl.ds(cc * L, L)] * wv
            return c2

        lax.fori_loop(0, B, _scale_row, 0)
        pltpu.sync_copy(gbuf, accum.at[dst_v.at[jj]], add=True)

    def _super(sb, carry):
        pltpu.sync_copy(src_hbm.at[wid, pl.ds(sb * SB, SB)], src_v)
        pltpu.sync_copy(dst_hbm.at[wid, pl.ds(sb * SB, SB)], dst_v)
        for b in range(NBUF):
            _fire(b, gbufs[b], asbs[b], adbs[b], sems[b])

        def _grp(q, c1):
            for b in range(NBUF):
                j = q * NBUF + b
                _drain(gbufs[b], asbs[b], adbs[b], sems[b])
                _process(j, gbufs[b], asbs[b], adbs[b])

                @pl.when(j + NBUF < SB)
                def _():
                    _fire(j + NBUF, gbufs[b], asbs[b], adbs[b], sems[b])
            return c1

        lax.fori_loop(0, SB // NBUF, _grp, 0)
        return carry

    lax.fori_loop(0, NSB, _super, 0)
    pltpu.sync_copy(den_v, den_hbm.at[wid])
    plsc.subcore_barrier()

    pltpu.sync_copy(accum.at[pl.ds(base, STRIPE)],
                    acc_hbm.at[pl.ds(cid * NPAD + base, STRIPE)])


_sc_edges = functools.partial(
    pl.kernel,
    out_type=[
        jax.ShapeDtypeStruct((NC * NPAD, C), jnp.float32),
        jax.ShapeDtypeStruct((NW, NPAD), jnp.float32),
    ],
    mesh=plsc.VectorSubcoreMesh(core_axis_name="c", subcore_axis_name="s",
                                num_cores=NC, num_subcores=NS),
    scratch_types=[
        pltpu.VMEM((SB, B), jnp.int32),
        pltpu.VMEM((SB, B), jnp.int32),
        pltpu.VMEM((B,), jnp.float32),
        pltpu.VMEM((NPAD,), jnp.float32),
        pltpu.VMEM((B, C), jnp.float32),
        pltpu.VMEM((B, C), jnp.float32),
        pltpu.VMEM((B, C), jnp.float32),
        pltpu.VMEM((B, C), jnp.float32),
        pltpu.VMEM((B,), jnp.float32),
        pltpu.VMEM((B,), jnp.float32),
        pltpu.VMEM((B,), jnp.float32),
        pltpu.VMEM((B,), jnp.float32),
        pltpu.VMEM((B,), jnp.float32),
        pltpu.VMEM((B,), jnp.float32),
        pltpu.VMEM((B,), jnp.float32),
        pltpu.VMEM((B,), jnp.float32),
        pltpu.VMEM_SHARED((NPAD, C), jnp.float32),
        pltpu.SemaphoreType.DMA,
        pltpu.SemaphoreType.DMA,
        pltpu.SemaphoreType.DMA,
        pltpu.SemaphoreType.DMA,
    ],
    compiler_params=pltpu.CompilerParams(needs_layout_passes=False),
)(_sc_body)


@jax.jit
def kernel(h, edge_index, lin_w, att_src, att_dst, bias):
    asrc = att_src.reshape(1, C)
    adst = att_dst.reshape(1, C)

    hp, a_s, a_d = pl.pallas_call(
        _pre_body,
        out_shape=[
            jax.ShapeDtypeStruct((N, C), jnp.float32),
            jax.ShapeDtypeStruct((N, 1), jnp.float32),
            jax.ShapeDtypeStruct((N, 1), jnp.float32),
        ],
    )(h, lin_w, asrc, adst)

    asp = jnp.pad(a_s.reshape(N), (0, NPAD - N))
    adp = jnp.pad(a_d.reshape(N), (0, NPAD - N))
    src = jnp.concatenate(
        [edge_index[0], jnp.zeros((EP - E,), jnp.int32)]).reshape(NW, NB, B)
    dst = jnp.concatenate(
        [edge_index[1], jnp.full((EP - E,), N, jnp.int32)]).reshape(NW, NB, B)

    acc, den = _sc_edges(hp, asp, adp, src, dst)

    out = pl.pallas_call(
        _post_body,
        out_shape=jax.ShapeDtypeStruct((N, C), jnp.float32),
    )(acc, den.T, hp, a_s, a_d, bias.reshape(1, C))
    return out

# --- scband reference (transcript-rebuilt; emitter-appended) ---
"""Pipeline reference for scband-gatconv-30932354465914 (READ-ONLY COPY).

The authoritative reference and input builder live on the scoring server;
editing this copy changes nothing except your own understanding.
"""

import jax, jax.numpy as jnp
import numpy as np

N = 10000
E = 320000
IN_C = 128
HEADS = 1
OUT_C = 128


def setup_inputs(seed: int = 0) -> dict:
    key = jax.random.key(seed)
    k1, k2, k3, k4, k5 = jax.random.split(key, 5)
    h = jax.random.normal(k1, (N, IN_C), dtype=jnp.float32)
    edge_index = jax.random.randint(k2, (2, E), 0, N, dtype=jnp.int32)
    # xavier_normal with gain=1.414 for lin weight [heads*out, in]
    std_lin = 1.414 * np.sqrt(2.0 / (IN_C + HEADS * OUT_C))
    lin_w = jax.random.normal(k3, (HEADS * OUT_C, IN_C), dtype=jnp.float32) * std_lin
    std_att = 1.414 * np.sqrt(2.0 / (1 * HEADS + OUT_C))
    att_src = jax.random.normal(k4, (1, HEADS, OUT_C), dtype=jnp.float32) * std_att
    att_dst = jax.random.normal(k5, (1, HEADS, OUT_C), dtype=jnp.float32) * std_att
    bias = jnp.zeros((HEADS * OUT_C,), dtype=jnp.float32)
    return {"h": h, "edge_index": edge_index, "lin_w": lin_w, "att_src": att_src, "att_dst": att_dst, "bias": bias}


def reference(h, edge_index, lin_w, att_src, att_dst, bias):
    n = h.shape[0]
    src = edge_index[0]
    dst = edge_index[1]
    # add_self_loops=True (dgl.add_self_loop)
    loop = jnp.arange(n, dtype=src.dtype)
    src = jnp.concatenate([src, loop], axis=0)
    dst = jnp.concatenate([dst, loop], axis=0)
    # linear transform: h @ W^T, view (N, H, C)
    hp = (h @ lin_w.T).reshape(n, HEADS, OUT_C)
    # attention logits per node
    alpha_src = (hp * att_src).sum(axis=-1)  # [N, H]
    alpha_dst = (hp * att_dst).sum(axis=-1)  # [N, H]
    # message: alpha = sigmoid(alpha_src[u] + alpha_dst[v]) per edge (u->v)
    e = jax.nn.sigmoid(alpha_src[src] + alpha_dst[dst])  # [E', H]
    # reduce: softmax over incoming edges of each dst node
    e_max = jax.ops.segment_max(e, dst, num_segments=n)  # [N, H]
    e_exp = jnp.exp(e - e_max[dst])
    denom = jax.ops.segment_sum(e_exp, dst, num_segments=n)  # [N, H]
    a = e_exp / denom[dst]  # [E', H]
    # weighted sum of source features (dropout p=0.0 -> identity)
    msg = hp[src] * a[:, :, None]  # [E', H, C]
    out = jax.ops.segment_sum(msg, dst, num_segments=n)  # [N, H, C]
    # concat=True
    out = out.reshape(n, HEADS * OUT_C)
    out = out + bias
    return out

if __name__ == "__main__":
    import jax
    _d = setup_inputs()
    print(jax.jit(kernel)(*tuple(_d.values())))

</pallas_src>

<mosaic_0001>
#map = affine_map<(d0, d1) -> (0, 0)>
#map1 = affine_map<(d0, d1) -> (0)>
#map2 = affine_map<(d0, d1) -> (0, 0, 0)>
module attributes {stable_mosaic.version = 14 : i64} {
  func.func @_sc_body(%arg0: i32, %arg1: i32, %arg2: memref<10000x128xf32, #tpu.memory_space<hbm>>, %arg3: memref<10112xf32, #tpu.memory_space<hbm>>, %arg4: memref<10112xf32, #tpu.memory_space<hbm>>, %arg5: memref<32x160x64xi32, #tpu.memory_space<hbm>>, %arg6: memref<32x160x64xi32, #tpu.memory_space<hbm>>, %arg7: memref<20224x128xf32, #tpu.memory_space<hbm>>, %arg8: memref<32x10112xf32, #tpu.memory_space<hbm>>, %arg9: memref<8x64xi32, #tpu.memory_space<vmem>>, %arg10: memref<8x64xi32, #tpu.memory_space<vmem>>, %arg11: memref<64xf32, #tpu.memory_space<vmem>>, %arg12: memref<10112xf32, #tpu.memory_space<vmem>>, %arg13: memref<64x128xf32, #tpu.memory_space<vmem>>, %arg14: memref<64x128xf32, #tpu.memory_space<vmem>>, %arg15: memref<64x128xf32, #tpu.memory_space<vmem>>, %arg16: memref<64x128xf32, #tpu.memory_space<vmem>>, %arg17: memref<64xf32, #tpu.memory_space<vmem>>, %arg18: memref<64xf32, #tpu.memory_space<vmem>>, %arg19: memref<64xf32, #tpu.memory_space<vmem>>, %arg20: memref<64xf32, #tpu.memory_space<vmem>>, %arg21: memref<64xf32, #tpu.memory_space<vmem>>, %arg22: memref<64xf32, #tpu.memory_space<vmem>>, %arg23: memref<64xf32, #tpu.memory_space<vmem>>, %arg24: memref<64xf32, #tpu.memory_space<vmem>>, %arg25: memref<10112x128xf32, #tpu.memory_space<vmem_shared>>, %arg26: memref<!tpu.dma_semaphore, #tpu.memory_space<semaphore_mem>>, %arg27: memref<!tpu.dma_semaphore, #tpu.memory_space<semaphore_mem>>, %arg28: memref<!tpu.dma_semaphore, #tpu.memory_space<semaphore_mem>>, %arg29: memref<!tpu.dma_semaphore, #tpu.memory_space<semaphore_mem>>) attributes {dimension_semantics = [#tpu.dimension_semantics<core_parallel>, #tpu.dimension_semantics<subcore_parallel>], iteration_bounds = array<i64: 2, 16>, scalar_prefetch = 0 : i64, scratch_operands = 21 : i64, tpu.core_type = #tpu.core_type<sc_vector_subcore>, window_params = [{transform_indices = #map}, {transform_indices = #map1}, {transform_indices = #map1}, {transform_indices = #map2}, {transform_indices = #map2}, {transform_indices = #map}, {transform_indices = #map}]} {
    %mul3A = arith.constant 16 : i32
    %mul3A_0 = arith.muli %arg0, %mul3A : i32
    %add3A = arith.addi %mul3A_0, %arg1 : i32
    %broadcast_in_dim3A = arith.constant 0.000000e+00 : f32
    %broadcast_in_dim3A_1 = vector.broadcast %broadcast_in_dim3A : f32 to vector<16xf32>
    %scan3A = arith.constant 0 : i32
    %scan3A_2 = arith.constant 0 : i32
    %scan3A_3 = arith.constant 64 : i32
    %scan3A_4 = arith.addi %scan3A_2, %scan3A_3 : i32
    %scan3A_5 = arith.constant 1 : i32
    scf.for %scan3A_45 = %scan3A_2 to %scan3A_4 step %scan3A_5  : i32 {
      %swap3A = arith.index_cast %scan3A_45 : i32 to index
      %swap3A_46 = arith.constant 0 : index
      %swap3A_47 = tpu.vector_load %arg13[%swap3A, %swap3A_46] {strides = array<i32>} : memref<64x128xf32, #tpu.memory_space<vmem>>, vector<16xf32>,
      tpu.vector_store %arg13[%swap3A, %swap3A_46], %broadcast_in_dim3A_1 {strides = array<i32>} : memref<64x128xf32, #tpu.memory_space<vmem>>, vector<16xf32>,
      %swap3A_48 = arith.index_cast %scan3A_45 : i32 to index
      %swap3A_49 = arith.constant 16 : index
      %swap3A_50 = tpu.vector_load %arg13[%swap3A_48, %swap3A_49] {strides = array<i32>} : memref<64x128xf32, #tpu.memory_space<vmem>>, vector<16xf32>,
      tpu.vector_store %arg13[%swap3A_48, %swap3A_49], %broadcast_in_dim3A_1 {strides = array<i32>} : memref<64x128xf32, #tpu.memory_space<vmem>>, vector<16xf32>,
      %swap3A_51 = arith.index_cast %scan3A_45 : i32 to index
      %swap3A_52 = arith.constant 32 : index
      %swap3A_53 = tpu.vector_load %arg13[%swap3A_51, %swap3A_52] {strides = array<i32>} : memref<64x128xf32, #tpu.memory_space<vmem>>, vector<16xf32>,
      tpu.vector_store %arg13[%swap3A_51, %swap3A_52], %broadcast_in_dim3A_1 {strides = array<i32>} : memref<64x128xf32, #tpu.memory_space<vmem>>, vector<16xf32>,
      %swap3A_54 = arith.index_cast %scan3A_45 : i32 to index
      %swap3A_55 = arith.constant 48 : index
      %swap3A_56 = tpu.vector_load %arg13[%swap3A_54, %swap3A_55] {strides = array<i32>} : memref<64x128xf32, #tpu.memory_space<vmem>>, vector<16xf32>,
      tpu.vector_store %arg13[%swap3A_54, %swap3A_55], %broadcast_in_dim3A_1 {strides = array<i32>} : memref<64x128xf32, #tpu.memory_space<vmem>>, vector<16xf32>,
      %swap3A_57 = arith.index_cast %scan3A_45 : i32 to index
      %swap3A_58 = arith.constant 64 : index
      %swap3A_59 = tpu.vector_load %arg13[%swap3A_57, %swap3A_58] {strides = array<i32>} : memref<64x128xf32, #tpu.memory_space<vmem>>, vector<16xf32>,
      tpu.vector_store %arg13[%swap3A_57, %swap3A_58], %broadcast_in_dim3A_1 {strides = array<i32>} : memref<64x128xf32, #tpu.memory_space<vmem>>, vector<16xf32>,
      %swap3A_60 = arith.index_cast %scan3A_45 : i32 to index
      %swap3A_61 = arith.constant 80 : index
      %swap3A_62 = tpu.vector_load %arg13[%swap3A_60, %swap3A_61] {strides = array<i32>} : memref<64x128xf32, #tpu.memory_space<vmem>>, vector<16xf32>,
      tpu.vector_store %arg13[%swap3A_60, %swap3A_61], %broadcast_in_dim3A_1 {strides = array<i32>} : memref<64x128xf32, #tpu.memory_space<vmem>>, vector<16xf32>,
      %swap3A_63 = arith.index_cast %scan3A_45 : i32 to index
      %swap3A_64 = arith.constant 96 : index
      %swap3A_65 = tpu.vector_load %arg13[%swap3A_63, %swap3A_64] {strides = array<i32>} : memref<64x128xf32, #tpu.memory_space<vmem>>, vector<16xf32>,
      tpu.vector_store %arg13[%swap3A_63, %swap3A_64], %broadcast_in_dim3A_1 {strides = array<i32>} : memref<64x128xf32, #tpu.memory_space<vmem>>, vector<16xf32>,
      %swap3A_66 = arith.index_cast %scan3A_45 : i32 to index
      %swap3A_67 = arith.constant 112 : index
      %swap3A_68 = tpu.vector_load %arg13[%swap3A_66, %swap3A_67] {strides = array<i32>} : memref<64x128xf32, #tpu.memory_space<vmem>>, vector<16xf32>,
      tpu.vector_store %arg13[%swap3A_66, %swap3A_67], %broadcast_in_dim3A_1 {strides = array<i32>} : memref<64x128xf32, #tpu.memory_space<vmem>>, vector<16xf32>,
    }
    %scan3A_6 = arith.constant 64 : i32
    %scan3A_7 = arith.constant 0 : i32
    %scan3A_8 = arith.constant 0 : i32
    %scan3A_9 = arith.constant 632 : i32
    %scan3A_10 = arith.addi %scan3A_8, %scan3A_9 : i32
    %scan3A_11 = arith.constant 1 : i32
    scf.for %scan3A_45 = %scan3A_8 to %scan3A_10 step %scan3A_11  : i32 {
      %mul3A_46 = arith.constant 16 : i32
      %mul3A_47 = arith.muli %scan3A_45, %mul3A_46 : i32
      %swap3A = arith.index_cast %mul3A_47 : i32 to index
      %swap3A_48 = tpu.vector_load %arg12[%swap3A] {strides = array<i32>} : memref<10112xf32, #tpu.memory_space<vmem>>, vector<16xf32>,
      tpu.vector_store %arg12[%swap3A], %broadcast_in_dim3A_1 {strides = array<i32>} : memref<10112xf32, #tpu.memory_space<vmem>>, vector<16xf32>,
    }
    %scan3A_12 = arith.constant 632 : i32
    %mul3A_13 = arith.constant 632 : i32
    %mul3A_14 = arith.muli %arg1, %mul3A_13 : i32
    %add3A_15 = arith.constant 0 : i32
    %add3A_16 = arith.addi %mul3A_14, %add3A_15 : i32
    "tpu.region"() ({
      %run_scoped3A = tpu.sem_alloc : memref<!tpu.dma_semaphore, #tpu.memory_space<semaphore_mem>>
      %dma_start3A = arith.constant 0 : i32
      %dma_start3A_45 = tpu.memref_slice %arg25[%add3A_16, %dma_start3A] : memref<10112x128xf32, #tpu.memory_space<vmem_shared>> -> memref<64x128xf32, #tpu.memory_space<vmem_shared>>
      %dma_start3A_46 = arith.constant 0 : i32
      %dma_start3A_47 = tpu.memref_slice %arg25[%add3A_16, %dma_start3A_46] : memref<10112x128xf32, #tpu.memory_space<vmem_shared>> -> memref<64x128xf32, #tpu.memory_space<vmem_shared>>
      tpu.enqueue_dma source(%arg13 : memref<64x128xf32, #tpu.memory_space<vmem>>) target(%dma_start3A_47 : memref<64x128xf32, #tpu.memory_space<vmem_shared>>) target_semaphore(%run_scoped3A : memref<!tpu.dma_semaphore, #tpu.memory_space<semaphore_mem>>)
      %dma_wait3A = arith.constant 0 : i32
      %dma_wait3A_48 = tpu.memref_slice %arg25[%add3A_16, %dma_wait3A] : memref<10112x128xf32, #tpu.memory_space<vmem_shared>> -> memref<64x128xf32, #tpu.memory_space<vmem_shared>>
      %dma_wait3A_49 = arith.constant 0 : i32
      %dma_wait3A_50 = tpu.memref_slice %arg25[%add3A_16, %dma_wait3A_49] : memref<10112x128xf32, #tpu.memory_space<vmem_shared>> -> memref<64x128xf32, #tpu.memory_space<vmem_shared>>
      tpu.wait_dma2 semaphore(%run_scoped3A : memref<!tpu.dma_semaphore, #tpu.memory_space<semaphore_mem>>) src(%arg13 : memref<64x128xf32, #tpu.memory_space<vmem>>) dst(%dma_wait3A_50 : memref<64x128xf32, #tpu.memory_space<vmem_shared>>)
      tpu.yield
    }) : () -> ()
    %add3A_17 = arith.constant 64 : i32
    %add3A_18 = arith.addi %mul3A_14, %add3A_17 : i32
    "tpu.region"() ({
      %run_scoped3A = tpu.sem_alloc : memref<!tpu.dma_semaphore, #tpu.memory_space<semaphore_mem>>
      %dma_start3A = arith.constant 0 : i32
      %dma_start3A_45 = tpu.memref_slice %arg25[%add3A_18, %dma_start3A] : memref<10112x128xf32, #tpu.memory_space<vmem_shared>> -> memref<64x128xf32, #tpu.memory_space<vmem_shared>>
      %dma_start3A_46 = arith.constant 0 : i32
      %dma_start3A_47 = tpu.memref_slice %arg25[%add3A_18, %dma_start3A_46] : memref<10112x128xf32, #tpu.memory_space<vmem_shared>> -> memref<64x128xf32, #tpu.memory_space<vmem_shared>>
      tpu.enqueue_dma source(%arg13 : memref<64x128xf32, #tpu.memory_space<vmem>>) target(%dma_start3A_47 : memref<64x128xf32, #tpu.memory_space<vmem_shared>>) target_semaphore(%run_scoped3A : memref<!tpu.dma_semaphore, #tpu.memory_space<semaphore_mem>>)
      %dma_wait3A = arith.constant 0 : i32
      %dma_wait3A_48 = tpu.memref_slice %arg25[%add3A_18, %dma_wait3A] : memref<10112x128xf32, #tpu.memory_space<vmem_shared>> -> memref<64x128xf32, #tpu.memory_space<vmem_shared>>
      %dma_wait3A_49 = arith.constant 0 : i32
      %dma_wait3A_50 = tpu.memref_slice %arg25[%add3A_18, %dma_wait3A_49] : memref<10112x128xf32, #tpu.memory_space<vmem_shared>> -> memref<64x128xf32, #tpu.memory_space<vmem_shared>>
      tpu.wait_dma2 semaphore(%run_scoped3A : memref<!tpu.dma_semaphore, #tpu.memory_space<semaphore_mem>>) src(%arg13 : memref<64x128xf32, #tpu.memory_space<vmem>>) dst(%dma_wait3A_50 : memref<64x128xf32, #tpu.memory_space<vmem_shared>>)
      tpu.yield
    }) : () -> ()
    %add3A_19 = arith.constant 128 : i32
    %add3A_20 = arith.addi %mul3A_14, %add3A_19 : i32
    "tpu.region"() ({
      %run_scoped3A = tpu.sem_alloc : memref<!tpu.dma_semaphore, #tpu.memory_space<semaphore_mem>>
      %dma_start3A = arith.constant 0 : i32
      %dma_start3A_45 = tpu.memref_slice %arg25[%add3A_20, %dma_start3A] : memref<10112x128xf32, #tpu.memory_space<vmem_shared>> -> memref<64x128xf32, #tpu.memory_space<vmem_shared>>
      %dma_start3A_46 = arith.constant 0 : i32
      %dma_start3A_47 = tpu.memref_slice %arg25[%add3A_20, %dma_start3A_46] : memref<10112x128xf32, #tpu.memory_space<vmem_shared>> -> memref<64x128xf32, #tpu.memory_space<vmem_shared>>
      tpu.enqueue_dma source(%arg13 : memref<64x128xf32, #tpu.memory_space<vmem>>) target(%dma_start3A_47 : memref<64x128xf32, #tpu.memory_space<vmem_shared>>) target_semaphore(%run_scoped3A : memref<!tpu.dma_semaphore, #tpu.memory_space<semaphore_mem>>)
      %dma_wait3A = arith.constant 0 : i32
      %dma_wait3A_48 = tpu.memref_slice %arg25[%add3A_20, %dma_wait3A] : memref<10112x128xf32, #tpu.memory_space<vmem_shared>> -> memref<64x128xf32, #tpu.memory_space<vmem_shared>>
      %dma_wait3A_49 = arith.constant 0 : i32
      %dma_wait3A_50 = tpu.memref_slice %arg25[%add3A_20, %dma_wait3A_49] : memref<10112x128xf32, #tpu.memory_space<vmem_shared>> -> memref<64x128xf32, #tpu.memory_space<vmem_shared>>
      tpu.wait_dma2 semaphore(%run_scoped3A : memref<!tpu.dma_semaphore, #tpu.memory_space<semaphore_mem>>) src(%arg13 : memref<64x128xf32, #tpu.memory_space<vmem>>) dst(%dma_wait3A_50 : memref<64x128xf32, #tpu.memory_space<vmem_shared>>)
      tpu.yield
    }) : () -> ()
    %add3A_21 = arith.constant 192 : i32
    %add3A_22 = arith.addi %mul3A_14, %add3A_21 : i32
    "tpu.region"() ({
      %run_scoped3A = tpu.sem_alloc : memref<!tpu.dma_semaphore, #tpu.memory_space<semaphore_mem>>
      %dma_start3A = arith.constant 0 : i32
      %dma_start3A_45 = tpu.memref_slice %arg25[%add3A_22, %dma_start3A] : memref<10112x128xf32, #tpu.memory_space<vmem_shared>> -> memref<64x128xf32, #tpu.memory_space<vmem_shared>>
      %dma_start3A_46 = arith.constant 0 : i32
      %dma_start3A_47 = tpu.memref_slice %arg25[%add3A_22, %dma_start3A_46] : memref<10112x128xf32, #tpu.memory_space<vmem_shared>> -> memref<64x128xf32, #tpu.memory_space<vmem_shared>>
      tpu.enqueue_dma source(%arg13 : memref<64x128xf32, #tpu.memory_space<vmem>>) target(%dma_start3A_47 : memref<64x128xf32, #tpu.memory_space<vmem_shared>>) target_semaphore(%run_scoped3A : memref<!tpu.dma_semaphore, #tpu.memory_space<semaphore_mem>>)
      %dma_wait3A = arith.constant 0 : i32
      %dma_wait3A_48 = tpu.memref_slice %arg25[%add3A_22, %dma_wait3A] : memref<10112x128xf32, #tpu.memory_space<vmem_shared>> -> memref<64x128xf32, #tpu.memory_space<vmem_shared>>
      %dma_wait3A_49 = arith.constant 0 : i32
      %dma_wait3A_50 = tpu.memref_slice %arg25[%add3A_22, %dma_wait3A_49] : memref<10112x128xf32, #tpu.memory_space<vmem_shared>> -> memref<64x128xf32, #tpu.memory_space<vmem_shared>>
      tpu.wait_dma2 semaphore(%run_scoped3A : memref<!tpu.dma_semaphore, #tpu.memory_space<semaphore_mem>>) src(%arg13 : memref<64x128xf32, #tpu.memory_space<vmem>>) dst(%dma_wait3A_50 : memref<64x128xf32, #tpu.memory_space<vmem_shared>>)
      tpu.yield
    }) : () -> ()
    %add3A_23 = arith.constant 256 : i32
    %add3A_24 = arith.addi %mul3A_14, %add3A_23 : i32
    "tpu.region"() ({
      %run_scoped3A = tpu.sem_alloc : memref<!tpu.dma_semaphore, #tpu.memory_space<semaphore_mem>>
      %dma_start3A = arith.constant 0 : i32
      %dma_start3A_45 = tpu.memref_slice %arg25[%add3A_24, %dma_start3A] : memref<10112x128xf32, #tpu.memory_space<vmem_shared>> -> memref<64x128xf32, #tpu.memory_space<vmem_shared>>
      %dma_start3A_46 = arith.constant 0 : i32
      %dma_start3A_47 = tpu.memref_slice %arg25[%add3A_24, %dma_start3A_46] : memref<10112x128xf32, #tpu.memory_space<vmem_shared>> -> memref<64x128xf32, #tpu.memory_space<vmem_shared>>
      tpu.enqueue_dma source(%arg13 : memref<64x128xf32, #tpu.memory_space<vmem>>) target(%dma_start3A_47 : memref<64x128xf32, #tpu.memory_space<vmem_shared>>) target_semaphore(%run_scoped3A : memref<!tpu.dma_semaphore, #tpu.memory_space<semaphore_mem>>)
      %dma_wait3A = arith.constant 0 : i32
      %dma_wait3A_48 = tpu.memref_slice %arg25[%add3A_24, %dma_wait3A] : memref<10112x128xf32, #tpu.memory_space<vmem_shared>> -> memref<64x128xf32, #tpu.memory_space<vmem_shared>>
      %dma_wait3A_49 = arith.constant 0 : i32
      %dma_wait3A_50 = tpu.memref_slice %arg25[%add3A_24, %dma_wait3A_49] : memref<10112x128xf32, #tpu.memory_space<vmem_shared>> -> memref<64x128xf32, #tpu.memory_space<vmem_shared>>
      tpu.wait_dma2 semaphore(%run_scoped3A : memref<!tpu.dma_semaphore, #tpu.memory_space<semaphore_mem>>) src(%arg13 : memref<64x128xf32, #tpu.memory_space<vmem>>) dst(%dma_wait3A_50 : memref<64x128xf32, #tpu.memory_space<vmem_shared>>)
      tpu.yield
    }) : () -> ()
    %add3A_25 = arith.constant 320 : i32
    %add3A_26 = arith.addi %mul3A_14, %add3A_25 : i32
    "tpu.region"() ({
      %run_scoped3A = tpu.sem_alloc : memref<!tpu.dma_semaphore, #tpu.memory_space<semaphore_mem>>
      %dma_start3A = arith.constant 0 : i32
      %dma_start3A_45 = tpu.memref_slice %arg25[%add3A_26, %dma_start3A] : memref<10112x128xf32, #tpu.memory_space<vmem_shared>> -> memref<64x128xf32, #tpu.memory_space<vmem_shared>>
      %dma_start3A_46 = arith.constant 0 : i32
      %dma_start3A_47 = tpu.memref_slice %arg25[%add3A_26, %dma_start3A_46] : memref<10112x128xf32, #tpu.memory_space<vmem_shared>> -> memref<64x128xf32, #tpu.memory_space<vmem_shared>>
      tpu.enqueue_dma source(%arg13 : memref<64x128xf32, #tpu.memory_space<vmem>>) target(%dma_start3A_47 : memref<64x128xf32, #tpu.memory_space<vmem_shared>>) target_semaphore(%run_scoped3A : memref<!tpu.dma_semaphore, #tpu.memory_space<semaphore_mem>>)
      %dma_wait3A = arith.constant 0 : i32
      %dma_wait3A_48 = tpu.memref_slice %arg25[%add3A_26, %dma_wait3A] : memref<10112x128xf32, #tpu.memory_space<vmem_shared>> -> memref<64x128xf32, #tpu.memory_space<vmem_shared>>
      %dma_wait3A_49 = arith.constant 0 : i32
      %dma_wait3A_50 = tpu.memref_slice %arg25[%add3A_26, %dma_wait3A_49] : memref<10112x128xf32, #tpu.memory_space<vmem_shared>> -> memref<64x128xf32, #tpu.memory_space<vmem_shared>>
      tpu.wait_dma2 semaphore(%run_scoped3A : memref<!tpu.dma_semaphore, #tpu.memory_space<semaphore_mem>>) src(%arg13 : memref<64x128xf32, #tpu.memory_space<vmem>>) dst(%dma_wait3A_50 : memref<64x128xf32, #tpu.memory_space<vmem_shared>>)
      tpu.yield
    }) : () -> ()
    %add3A_27 = arith.constant 384 : i32
    %add3A_28 = arith.addi %mul3A_14, %add3A_27 : i32
    "tpu.region"() ({
      %run_scoped3A = tpu.sem_alloc : memref<!tpu.dma_semaphore, #tpu.memory_space<semaphore_mem>>
      %dma_start3A = arith.constant 0 : i32
      %dma_start3A_45 = tpu.memref_slice %arg25[%add3A_28, %dma_start3A] : memref<10112x128xf32, #tpu.memory_space<vmem_shared>> -> memref<64x128xf32, #tpu.memory_space<vmem_shared>>
      %dma_start3A_46 = arith.constant 0 : i32
      %dma_start3A_47 = tpu.memref_slice %arg25[%add3A_28, %dma_start3A_46] : memref<10112x128xf32, #tpu.memory_space<vmem_shared>> -> memref<64x128xf32, #tpu.memory_space<vmem_shared>>
      tpu.enqueue_dma source(%arg13 : memref<64x128xf32, #tpu.memory_space<vmem>>) target(%dma_start3A_47 : memref<64x128xf32, #tpu.memory_space<vmem_shared>>) target_semaphore(%run_scoped3A : memref<!tpu.dma_semaphore, #tpu.memory_space<semaphore_mem>>)
      %dma_wait3A = arith.constant 0 : i32
      %dma_wait3A_48 = tpu.memref_slice %arg25[%add3A_28, %dma_wait3A] : memref<10112x128xf32, #tpu.memory_space<vmem_shared>> -> memref<64x128xf32, #tpu.memory_space<vmem_shared>>
      %dma_wait3A_49 = arith.constant 0 : i32
      %dma_wait3A_50 = tpu.memref_slice %arg25[%add3A_28, %dma_wait3A_49] : memref<10112x128xf32, #tpu.memory_space<vmem_shared>> -> memref<64x128xf32, #tpu.memory_space<vmem_shared>>
      tpu.wait_dma2 semaphore(%run_scoped3A : memref<!tpu.dma_semaphore, #tpu.memory_space<semaphore_mem>>) src(%arg13 : memref<64x128xf32, #tpu.memory_space<vmem>>) dst(%dma_wait3A_50 : memref<64x128xf32, #tpu.memory_space<vmem_shared>>)
      tpu.yield
    }) : () -> ()
    %add3A_29 = arith.constant 448 : i32
    %add3A_30 = arith.addi %mul3A_14, %add3A_29 : i32
    "tpu.region"() ({
      %run_scoped3A = tpu.sem_alloc : memref<!tpu.dma_semaphore, #tpu.memory_space<semaphore_mem>>
      %dma_start3A = arith.constant 0 : i32
      %dma_start3A_45 = tpu.memref_slice %arg25[%add3A_30, %dma_start3A] : memref<10112x128xf32, #tpu.memory_space<vmem_shared>> -> memref<64x128xf32, #tpu.memory_space<vmem_shared>>
      %dma_start3A_46 = arith.constant 0 : i32
      %dma_start3A_47 = tpu.memref_slice %arg25[%add3A_30, %dma_start3A_46] : memref<10112x128xf32, #tpu.memory_space<vmem_shared>> -> memref<64x128xf32, #tpu.memory_space<vmem_shared>>
      tpu.enqueue_dma source(%arg13 : memref<64x128xf32, #tpu.memory_space<vmem>>) target(%dma_start3A_47 : memref<64x128xf32, #tpu.memory_space<vmem_shared>>) target_semaphore(%run_scoped3A : memref<!tpu.dma_semaphore, #tpu.memory_space<semaphore_mem>>)
      %dma_wait3A = arith.constant 0 : i32
      %dma_wait3A_48 = tpu.memref_slice %arg25[%add3A_30, %dma_wait3A] : memref<10112x128xf32, #tpu.memory_space<vmem_shared>> -> memref<64x128xf32, #tpu.memory_space<vmem_shared>>
      %dma_wait3A_49 = arith.constant 0 : i32
      %dma_wait3A_50 = tpu.memref_slice %arg25[%add3A_30, %dma_wait3A_49] : memref<10112x128xf32, #tpu.memory_space<vmem_shared>> -> memref<64x128xf32, #tpu.memory_space<vmem_shared>>
      tpu.wait_dma2 semaphore(%run_scoped3A : memref<!tpu.dma_semaphore, #tpu.memory_space<semaphore_mem>>) src(%arg13 : memref<64x128xf32, #tpu.memory_space<vmem>>) dst(%dma_wait3A_50 : memref<64x128xf32, #tpu.memory_space<vmem_shared>>)
      tpu.yield
    }) : () -> ()
    %add3A_31 = arith.constant 512 : i32
    %add3A_32 = arith.addi %mul3A_14, %add3A_31 : i32
    "tpu.region"() ({
      %run_scoped3A = tpu.sem_alloc : memref<!tpu.dma_semaphore, #tpu.memory_space<semaphore_mem>>
      %dma_start3A = arith.constant 0 : i32
      %dma_start3A_45 = tpu.memref_slice %arg25[%add3A_32, %dma_start3A] : memref<10112x128xf32, #tpu.memory_space<vmem_shared>> -> memref<64x128xf32, #tpu.memory_space<vmem_shared>>
      %dma_start3A_46 = arith.constant 0 : i32
      %dma_start3A_47 = tpu.memref_slice %arg25[%add3A_32, %dma_start3A_46] : memref<10112x128xf32, #tpu.memory_space<vmem_shared>> -> memref<64x128xf32, #tpu.memory_space<vmem_shared>>
      tpu.enqueue_dma source(%arg13 : memref<64x128xf32, #tpu.memory_space<vmem>>) target(%dma_start3A_47 : memref<64x128xf32, #tpu.memory_space<vmem_shared>>) target_semaphore(%run_scoped3A : memref<!tpu.dma_semaphore, #tpu.memory_space<semaphore_mem>>)
      %dma_wait3A = arith.constant 0 : i32
      %dma_wait3A_48 = tpu.memref_slice %arg25[%add3A_32, %dma_wait3A] : memref<10112x128xf32, #tpu.memory_space<vmem_shared>> -> memref<64x128xf32, #tpu.memory_space<vmem_shared>>
      %dma_wait3A_49 = arith.constant 0 : i32
      %dma_wait3A_50 = tpu.memref_slice %arg25[%add3A_32, %dma_wait3A_49] : memref<10112x128xf32, #tpu.memory_space<vmem_shared>> -> memref<64x128xf32, #tpu.memory_space<vmem_shared>>
      tpu.wait_dma2 semaphore(%run_scoped3A : memref<!tpu.dma_semaphore, #tpu.memory_space<semaphore_mem>>) src(%arg13 : memref<64x128xf32, #tpu.memory_space<vmem>>) dst(%dma_wait3A_50 : memref<64x128xf32, #tpu.memory_space<vmem_shared>>)
      tpu.yield
    }) : () -> ()
    %add3A_33 = arith.constant 576 : i32
    %add3A_34 = arith.addi %mul3A_14, %add3A_33 : i32
    "tpu.region"() ({
      %run_scoped3A = tpu.sem_alloc : memref<!tpu.dma_semaphore, #tpu.memory_space<semaphore_mem>>
      %dma_start3A = arith.constant 0 : i32
      %dma_start3A_45 = arith.constant 0 : i32
      %dma_start3A_46 = tpu.memref_slice %arg13[%dma_start3A, %dma_start3A_45] : memref<64x128xf32, #tpu.memory_space<vmem>> -> memref<56x128xf32, #tpu.memory_space<vmem>>
      %dma_start3A_47 = arith.constant 0 : i32
      %dma_start3A_48 = tpu.memref_slice %arg25[%add3A_34, %dma_start3A_47] : memref<10112x128xf32, #tpu.memory_space<vmem_shared>> -> memref<56x128xf32, #tpu.memory_space<vmem_shared>>
      %dma_start3A_49 = arith.constant 0 : i32
      %dma_start3A_50 = tpu.memref_slice %arg25[%add3A_34, %dma_start3A_49] : memref<10112x128xf32, #tpu.memory_space<vmem_shared>> -> memref<56x128xf32, #tpu.memory_space<vmem_shared>>
      %dma_start3A_51 = arith.constant 0 : i32
      %dma_start3A_52 = arith.constant 0 : i32
      %dma_start3A_53 = tpu.memref_slice %arg13[%dma_start3A_51, %dma_start3A_52] : memref<64x128xf32, #tpu.memory_space<vmem>> -> memref<56x128xf32, #tpu.memory_space<vmem>>
      tpu.enqueue_dma source(%dma_start3A_53 : memref<56x128xf32, #tpu.memory_space<vmem>>) target(%dma_start3A_50 : memref<56x128xf32, #tpu.memory_space<vmem_shared>>) target_semaphore(%run_scoped3A : memref<!tpu.dma_semaphore, #tpu.memory_space<semaphore_mem>>)
      %dma_wait3A = arith.constant 0 : i32
      %dma_wait3A_54 = arith.constant 0 : i32
      %dma_wait3A_55 = tpu.memref_slice %arg13[%dma_wait3A, %dma_wait3A_54] : memref<64x128xf32, #tpu.memory_space<vmem>> -> memref<56x128xf32, #tpu.memory_space<vmem>>
      %dma_wait3A_56 = arith.constant 0 : i32
      %dma_wait3A_57 = tpu.memref_slice %arg25[%add3A_34, %dma_wait3A_56] : memref<10112x128xf32, #tpu.memory_space<vmem_shared>> -> memref<56x128xf32, #tpu.memory_space<vmem_shared>>
      %dma_wait3A_58 = arith.constant 0 : i32
      %dma_wait3A_59 = tpu.memref_slice %arg25[%add3A_34, %dma_wait3A_58] : memref<10112x128xf32, #tpu.memory_space<vmem_shared>> -> memref<56x128xf32, #tpu.memory_space<vmem_shared>>
      %dma_wait3A_60 = arith.constant 0 : i32
      %dma_wait3A_61 = arith.constant 0 : i32
      %dma_wait3A_62 = tpu.memref_slice %arg13[%dma_wait3A_60, %dma_wait3A_61] : memref<64x128xf32, #tpu.memory_space<vmem>> -> memref<56x128xf32, #tpu.memory_space<vmem>>
      tpu.wait_dma2 semaphore(%run_scoped3A : memref<!tpu.dma_semaphore, #tpu.memory_space<semaphore_mem>>) src(%dma_wait3A_62 : memref<56x128xf32, #tpu.memory_space<vmem>>) dst(%dma_wait3A_59 : memref<56x128xf32, #tpu.memory_space<vmem_shared>>)
      tpu.yield
    }) : () -> ()
    %barrier3A = arith.constant 0 : index
    tpu.barrier barrier_id(%barrier3A)
    %scan3A_35 = arith.constant 0 : i32
    %scan3A_36 = arith.constant 0 : i32
    %scan3A_37 = arith.constant 20 : i32
    %scan3A_38 = arith.addi %scan3A_36, %scan3A_37 : i32
    %scan3A_39 = arith.constant 1 : i32
    scf.for %scan3A_45 = %scan3A_36 to %scan3A_38 step %scan3A_39  : i32 {
      %mul3A_46 = arith.constant 8 : i32
      %mul3A_47 = arith.muli %scan3A_45, %mul3A_46 : i32
      "tpu.region"() ({
        %run_scoped3A = tpu.sem_alloc : memref<!tpu.dma_semaphore, #tpu.memory_space<semaphore_mem>>
        %dma_start3A_131 = arith.constant 0 : i32
        %dma_start3A_132 = tpu.memref_slice %arg5[%add3A, %mul3A_47, %dma_start3A_131] : memref<32x160x64xi32, #tpu.memory_space<hbm>> -> memref<1x8x64xi32, #tpu.memory_space<hbm>>
        %dma_start3A_133 = tpu.memref_squeeze %dma_start3A_132 : memref<1x8x64xi32, #tpu.memory_space<hbm>> -> memref<8x64xi32, #tpu.memory_space<hbm>>
        %dma_start3A_134 = arith.constant 0 : i32
        %dma_start3A_135 = tpu.memref_slice %arg5[%add3A, %mul3A_47, %dma_start3A_134] : memref<32x160x64xi32, #tpu.memory_space<hbm>> -> memref<1x8x64xi32, #tpu.memory_space<hbm>>
        %dma_start3A_136 = tpu.memref_squeeze %dma_start3A_135 : memref<1x8x64xi32, #tpu.memory_space<hbm>> -> memref<8x64xi32, #tpu.memory_space<hbm>>
        tpu.enqueue_dma source(%dma_start3A_136 : memref<8x64xi32, #tpu.memory_space<hbm>>) target(%arg9 : memref<8x64xi32, #tpu.memory_space<vmem>>) target_semaphore(%run_scoped3A : memref<!tpu.dma_semaphore, #tpu.memory_space<semaphore_mem>>)
        %dma_wait3A = arith.constant 0 : i32
        %dma_wait3A_137 = tpu.memref_slice %arg5[%add3A, %mul3A_47, %dma_wait3A] : memref<32x160x64xi32, #tpu.memory_space<hbm>> -> memref<1x8x64xi32, #tpu.memory_space<hbm>>
        %dma_wait3A_138 = tpu.memref_squeeze %dma_wait3A_137 : memref<1x8x64xi32, #tpu.memory_space<hbm>> -> memref<8x64xi32, #tpu.memory_space<hbm>>
        %dma_wait3A_139 = arith.constant 0 : i32
        %dma_wait3A_140 = tpu.memref_slice %arg5[%add3A, %mul3A_47, %dma_wait3A_139] : memref<32x160x64xi32, #tpu.memory_space<hbm>> -> memref<1x8x64xi32, #tpu.memory_space<hbm>>
        %dma_wait3A_141 = tpu.memref_squeeze %dma_wait3A_140 : memref<1x8x64xi32, #tpu.memory_space<hbm>> -> memref<8x64xi32, #tpu.memory_space<hbm>>
        tpu.wait_dma2 semaphore(%run_scoped3A : memref<!tpu.dma_semaphore, #tpu.memory_space<semaphore_mem>>) src(%dma_wait3A_141 : memref<8x64xi32, #tpu.memory_space<hbm>>) dst(%arg9 : memref<8x64xi32, #tpu.memory_space<vmem>>)
        tpu.yield
      }) : () -> ()
      %mul3A_48 = arith.constant 8 : i32
      %mul3A_49 = arith.muli %scan3A_45, %mul3A_48 : i32
      "tpu.region"() ({
        %run_scoped3A = tpu.sem_alloc : memref<!tpu.dma_semaphore, #tpu.memory_space<semaphore_mem>>
        %dma_start3A_131 = arith.constant 0 : i32
        %dma_start3A_132 = tpu.memref_slice %arg6[%add3A, %mul3A_49, %dma_start3A_131] : memref<32x160x64xi32, #tpu.memory_space<hbm>> -> memref<1x8x64xi32, #tpu.memory_space<hbm>>
        %dma_start3A_133 = tpu.memref_squeeze %dma_start3A_132 : memref<1x8x64xi32, #tpu.memory_space<hbm>> -> memref<8x64xi32, #tpu.memory_space<hbm>>
        %dma_start3A_134 = arith.constant 0 : i32
        %dma_start3A_135 = tpu.memref_slice %arg6[%add3A, %mul3A_49, %dma_start3A_134] : memref<32x160x64xi32, #tpu.memory_space<hbm>> -> memref<1x8x64xi32, #tpu.memory_space<hbm>>
        %dma_start3A_136 = tpu.memref_squeeze %dma_start3A_135 : memref<1x8x64xi32, #tpu.memory_space<hbm>> -> memref<8x64xi32, #tpu.memory_space<hbm>>
        tpu.enqueue_dma source(%dma_start3A_136 : memref<8x64xi32, #tpu.memory_space<hbm>>) target(%arg10 : memref<8x64xi32, #tpu.memory_space<vmem>>) target_semaphore(%run_scoped3A : memref<!tpu.dma_semaphore, #tpu.memory_space<semaphore_mem>>)
        %dma_wait3A = arith.constant 0 : i32
        %dma_wait3A_137 = tpu.memref_slice %arg6[%add3A, %mul3A_49, %dma_wait3A] : memref<32x160x64xi32, #tpu.memory_space<hbm>> -> memref<1x8x64xi32, #tpu.memory_space<hbm>>
        %dma_wait3A_138 = tpu.memref_squeeze %dma_wait3A_137 : memref<1x8x64xi32, #tpu.memory_space<hbm>> -> memref<8x64xi32, #tpu.memory_space<hbm>>
        %dma_wait3A_139 = arith.constant 0 : i32
        %dma_wait3A_140 = tpu.memref_slice %arg6[%add3A, %mul3A_49, %dma_wait3A_139] : memref<32x160x64xi32, #tpu.memory_space<hbm>> -> memref<1x8x64xi32, #tpu.memory_space<hbm>>
        %dma_wait3A_141 = tpu.memref_squeeze %dma_wait3A_140 : memref<1x8x64xi32, #tpu.memory_space<hbm>> -> memref<8x64xi32, #tpu.memory_space<hbm>>
        tpu.wait_dma2 semaphore(%run_scoped3A : memref<!tpu.dma_semaphore, #tpu.memory_space<semaphore_mem>>) src(%dma_wait3A_141 : memref<8x64xi32, #tpu.memory_space<hbm>>) dst(%arg10 : memref<8x64xi32, #tpu.memory_space<vmem>>)
        tpu.yield
      }) : () -> ()
      %dma_start3A = arith.constant 0 : i32
      %dma_start3A_50 = arith.constant 0 : i32
      %dma_start3A_51 = tpu.memref_slice %arg9[%dma_start3A, %dma_start3A_50] : memref<8x64xi32, #tpu.memory_space<vmem>> -> memref<1x64xi32, #tpu.memory_space<vmem>>
      %dma_start3A_52 = tpu.memref_squeeze %dma_start3A_51 : memref<1x64xi32, #tpu.memory_space<vmem>> -> memref<64xi32, #tpu.memory_space<vmem>>
      %dma_start3A_53 = arith.constant 0 : i32
      %dma_start3A_54 = arith.constant 0 : i32
      %dma_start3A_55 = tpu.memref_slice %arg2[%dma_start3A_53, %dma_start3A_54] : memref<10000x128xf32, #tpu.memory_space<hbm>> -> memref<10000x128xf32, #tpu.memory_space<hbm>>
      tpu.enqueue_indirect_dma source(%dma_start3A_55 : memref<10000x128xf32, #tpu.memory_space<hbm>>) target(%arg13 : memref<64x128xf32, #tpu.memory_space<vmem>>) offsets(%dma_start3A_52 : memref<64xi32, #tpu.memory_space<vmem>>) semaphore(%arg26 : memref<!tpu.dma_semaphore, #tpu.memory_space<semaphore_mem>>)
      %dma_start3A_56 = arith.constant 0 : i32
      %dma_start3A_57 = arith.constant 0 : i32
      %dma_start3A_58 = tpu.memref_slice %arg9[%dma_start3A_56, %dma_start3A_57] : memref<8x64xi32, #tpu.memory_space<vmem>> -> memref<1x64xi32, #tpu.memory_space<vmem>>
      %dma_start3A_59 = tpu.memref_squeeze %dma_start3A_58 : memref<1x64xi32, #tpu.memory_space<vmem>> -> memref<64xi32, #tpu.memory_space<vmem>>
      %dma_start3A_60 = arith.constant 0 : i32
      %dma_start3A_61 = tpu.memref_slice %arg3[%dma_start3A_60] : memref<10112xf32, #tpu.memory_space<hbm>> -> memref<10112xf32, #tpu.memory_space<hbm>>
      tpu.enqueue_indirect_dma source(%dma_start3A_61 : memref<10112xf32, #tpu.memory_space<hbm>>) target(%arg17 : memref<64xf32, #tpu.memory_space<vmem>>) offsets(%dma_start3A_59 : memref<64xi32, #tpu.memory_space<vmem>>) semaphore(%arg26 : memref<!tpu.dma_semaphore, #tpu.memory_space<semaphore_mem>>)
      %dma_start3A_62 = arith.constant 0 : i32
      %dma_start3A_63 = arith.constant 0 : i32
      %dma_start3A_64 = tpu.memref_slice %arg10[%dma_start3A_62, %dma_start3A_63] : memref<8x64xi32, #tpu.memory_space<vmem>> -> memref<1x64xi32, #tpu.memory_space<vmem>>
      %dma_start3A_65 = tpu.memref_squeeze %dma_start3A_64 : memref<1x64xi32, #tpu.memory_space<vmem>> -> memref<64xi32, #tpu.memory_space<vmem>>
      %dma_start3A_66 = arith.constant 0 : i32
      %dma_start3A_67 = tpu.memref_slice %arg4[%dma_start3A_66] : memref<10112xf32, #tpu.memory_space<hbm>> -> memref<10112xf32, #tpu.memory_space<hbm>>
      tpu.enqueue_indirect_dma source(%dma_start3A_67 : memref<10112xf32, #tpu.memory_space<hbm>>) target(%arg21 : memref<64xf32, #tpu.memory_space<vmem>>) offsets(%dma_start3A_65 : memref<64xi32, #tpu.memory_space<vmem>>) semaphore(%arg26 : memref<!tpu.dma_semaphore, #tpu.memory_space<semaphore_mem>>)
      %dma_start3A_68 = arith.constant 1 : i32
      %dma_start3A_69 = arith.constant 0 : i32
      %dma_start3A_70 = tpu.memref_slice %arg9[%dma_start3A_68, %dma_start3A_69] : memref<8x64xi32, #tpu.memory_space<vmem>> -> memref<1x64xi32, #tpu.memory_space<vmem>>
      %dma_start3A_71 = tpu.memref_squeeze %dma_start3A_70 : memref<1x64xi32, #tpu.memory_space<vmem>> -> memref<64xi32, #tpu.memory_space<vmem>>
      %dma_start3A_72 = arith.constant 0 : i32
      %dma_start3A_73 = arith.constant 0 : i32
      %dma_start3A_74 = tpu.memref_slice %arg2[%dma_start3A_72, %dma_start3A_73] : memref<10000x128xf32, #tpu.memory_space<hbm>> -> memref<10000x128xf32, #tpu.memory_space<hbm>>
      tpu.enqueue_indirect_dma source(%dma_start3A_74 : memref<10000x128xf32, #tpu.memory_space<hbm>>) target(%arg14 : memref<64x128xf32, #tpu.memory_space<vmem>>) offsets(%dma_start3A_71 : memref<64xi32, #tpu.memory_space<vmem>>) semaphore(%arg27 : memref<!tpu.dma_semaphore, #tpu.memory_space<semaphore_mem>>)
      %dma_start3A_75 = arith.constant 1 : i32
      %dma_start3A_76 = arith.constant 0 : i32
      %dma_start3A_77 = tpu.memref_slice %arg9[%dma_start3A_75, %dma_start3A_76] : memref<8x64xi32, #tpu.memory_space<vmem>> -> memref<1x64xi32, #tpu.memory_space<vmem>>
      %dma_start3A_78 = tpu.memref_squeeze %dma_start3A_77 : memref<1x64xi32, #tpu.memory_space<vmem>> -> memref<64xi32, #tpu.memory_space<vmem>>
      %dma_start3A_79 = arith.constant 0 : i32
      %dma_start3A_80 = tpu.memref_slice %arg3[%dma_start3A_79] : memref<10112xf32, #tpu.memory_space<hbm>> -> memref<10112xf32, #tpu.memory_space<hbm>>
      tpu.enqueue_indirect_dma source(%dma_start3A_80 : memref<10112xf32, #tpu.memory_space<hbm>>) target(%arg18 : memref<64xf32, #tpu.memory_space<vmem>>) offsets(%dma_start3A_78 : memref<64xi32, #tpu.memory_space<vmem>>) semaphore(%arg27 : memref<!tpu.dma_semaphore, #tpu.memory_space<semaphore_mem>>)
      %dma_start3A_81 = arith.constant 1 : i32
      %dma_start3A_82 = arith.constant 0 : i32
      %dma_start3A_83 = tpu.memref_slice %arg10[%dma_start3A_81, %dma_start3A_82] : memref<8x64xi32, #tpu.memory_space<vmem>> -> memref<1x64xi32, #tpu.memory_space<vmem>>
      %dma_start3A_84 = tpu.memref_squeeze %dma_start3A_83 : memref<1x64xi32, #tpu.memory_space<vmem>> -> memref<64xi32, #tpu.memory_space<vmem>>
      %dma_start3A_85 = arith.constant 0 : i32
      %dma_start3A_86 = tpu.memref_slice %arg4[%dma_start3A_85] : memref<10112xf32, #tpu.memory_space<hbm>> -> memref<10112xf32, #tpu.memory_space<hbm>>
      tpu.enqueue_indirect_dma source(%dma_start3A_86 : memref<10112xf32, #tpu.memory_space<hbm>>) target(%arg22 : memref<64xf32, #tpu.memory_space<vmem>>) offsets(%dma_start3A_84 : memref<64xi32, #tpu.memory_space<vmem>>) semaphore(%arg27 : memref<!tpu.dma_semaphore, #tpu.memory_space<semaphore_mem>>)
      %dma_start3A_87 = arith.constant 2 : i32
      %dma_start3A_88 = arith.constant 0 : i32
      %dma_start3A_89 = tpu.memref_slice %arg9[%dma_start3A_87, %dma_start3A_88] : memref<8x64xi32, #tpu.memory_space<vmem>> -> memref<1x64xi32, #tpu.memory_space<vmem>>
      %dma_start3A_90 = tpu.memref_squeeze %dma_start3A_89 : memref<1x64xi32, #tpu.memory_space<vmem>> -> memref<64xi32, #tpu.memory_space<vmem>>
      %dma_start3A_91 = arith.constant 0 : i32
      %dma_start3A_92 = arith.constant 0 : i32
      %dma_start3A_93 = tpu.memref_slice %arg2[%dma_start3A_91, %dma_start3A_92] : memref<10000x128xf32, #tpu.memory_space<hbm>> -> memref<10000x128xf32, #tpu.memory_space<hbm>>
      tpu.enqueue_indirect_dma source(%dma_start3A_93 : memref<10000x128xf32, #tpu.memory_space<hbm>>) target(%arg15 : memref<64x128xf32, #tpu.memory_space<vmem>>) offsets(%dma_start3A_90 : memref<64xi32, #tpu.memory_space<vmem>>) semaphore(%arg28 : memref<!tpu.dma_semaphore, #tpu.memory_space<semaphore_mem>>)
      %dma_start3A_94 = arith.constant 2 : i32
      %dma_start3A_95 = arith.constant 0 : i32
      %dma_start3A_96 = tpu.memref_slice %arg9[%dma_start3A_94, %dma_start3A_95] : memref<8x64xi32, #tpu.memory_space<vmem>> -> memref<1x64xi32, #tpu.memory_space<vmem>>
      %dma_start3A_97 = tpu.memref_squeeze %dma_start3A_96 : memref<1x64xi32, #tpu.memory_space<vmem>> -> memref<64xi32, #tpu.memory_space<vmem>>
      %dma_start3A_98 = arith.constant 0 : i32
      %dma_start3A_99 = tpu.memref_slice %arg3[%dma_start3A_98] : memref<10112xf32, #tpu.memory_space<hbm>> -> memref<10112xf32, #tpu.memory_space<hbm>>
      tpu.enqueue_indirect_dma source(%dma_start3A_99 : memref<10112xf32, #tpu.memory_space<hbm>>) target(%arg19 : memref<64xf32, #tpu.memory_space<vmem>>) offsets(%dma_start3A_97 : memref<64xi32, #tpu.memory_space<vmem>>) semaphore(%arg28 : memref<!tpu.dma_semaphore, #tpu.memory_space<semaphore_mem>>)
      %dma_start3A_100 = arith.constant 2 : i32
      %dma_start3A_101 = arith.constant 0 : i32
      %dma_start3A_102 = tpu.memref_slice %arg10[%dma_start3A_100, %dma_start3A_101] : memref<8x64xi32, #tpu.memory_space<vmem>> -> memref<1x64xi32, #tpu.memory_space<vmem>>
      %dma_start3A_103 = tpu.memref_squeeze %dma_start3A_102 : memref<1x64xi32, #tpu.memory_space<vmem>> -> memref<64xi32, #tpu.memory_space<vmem>>
      %dma_start3A_104 = arith.constant 0 : i32
      %dma_start3A_105 = tpu.memref_slice %arg4[%dma_start3A_104] : memref<10112xf32, #tpu.memory_space<hbm>> -> memref<10112xf32, #tpu.memory_space<hbm>>
      tpu.enqueue_indirect_dma source(%dma_start3A_105 : memref<10112xf32, #tpu.memory_space<hbm>>) target(%arg23 : memref<64xf32, #tpu.memory_space<vmem>>) offsets(%dma_start3A_103 : memref<64xi32, #tpu.memory_space<vmem>>) semaphore(%arg28 : memref<!tpu.dma_semaphore, #tpu.memory_space<semaphore_mem>>)
      %dma_start3A_106 = arith.constant 3 : i32
      %dma_start3A_107 = arith.constant 0 : i32
      %dma_start3A_108 = tpu.memref_slice %arg9[%dma_start3A_106, %dma_start3A_107] : memref<8x64xi32, #tpu.memory_space<vmem>> -> memref<1x64xi32, #tpu.memory_space<vmem>>
      %dma_start3A_109 = tpu.memref_squeeze %dma_start3A_108 : memref<1x64xi32, #tpu.memory_space<vmem>> -> memref<64xi32, #tpu.memory_space<vmem>>
      %dma_start3A_110 = arith.constant 0 : i32
      %dma_start3A_111 = arith.constant 0 : i32
      %dma_start3A_112 = tpu.memref_slice %arg2[%dma_start3A_110, %dma_start3A_111] : memref<10000x128xf32, #tpu.memory_space<hbm>> -> memref<10000x128xf32, #tpu.memory_space<hbm>>
      tpu.enqueue_indirect_dma source(%dma_start3A_112 : memref<10000x128xf32, #tpu.memory_space<hbm>>) target(%arg16 : memref<64x128xf32, #tpu.memory_space<vmem>>) offsets(%dma_start3A_109 : memref<64xi32, #tpu.memory_space<vmem>>) semaphore(%arg29 : memref<!tpu.dma_semaphore, #tpu.memory_space<semaphore_mem>>)
      %dma_start3A_113 = arith.constant 3 : i32
      %dma_start3A_114 = arith.constant 0 : i32
      %dma_start3A_115 = tpu.memref_slice %arg9[%dma_start3A_113, %dma_start3A_114] : memref<8x64xi32, #tpu.memory_space<vmem>> -> memref<1x64xi32, #tpu.memory_space<vmem>>
      %dma_start3A_116 = tpu.memref_squeeze %dma_start3A_115 : memref<1x64xi32, #tpu.memory_space<vmem>> -> memref<64xi32, #tpu.memory_space<vmem>>
      %dma_start3A_117 = arith.constant 0 : i32
      %dma_start3A_118 = tpu.memref_slice %arg3[%dma_start3A_117] : memref<10112xf32, #tpu.memory_space<hbm>> -> memref<10112xf32, #tpu.memory_space<hbm>>
      tpu.enqueue_indirect_dma source(%dma_start3A_118 : memref<10112xf32, #tpu.memory_space<hbm>>) target(%arg20 : memref<64xf32, #tpu.memory_space<vmem>>) offsets(%dma_start3A_116 : memref<64xi32, #tpu.memory_space<vmem>>) semaphore(%arg29 : memref<!tpu.dma_semaphore, #tpu.memory_space<semaphore_mem>>)
      %dma_start3A_119 = arith.constant 3 : i32
      %dma_start3A_120 = arith.constant 0 : i32
      %dma_start3A_121 = tpu.memref_slice %arg10[%dma_start3A_119, %dma_start3A_120] : memref<8x64xi32, #tpu.memory_space<vmem>> -> memref<1x64xi32, #tpu.memory_space<vmem>>
      %dma_start3A_122 = tpu.memref_squeeze %dma_start3A_121 : memref<1x64xi32, #tpu.memory_space<vmem>> -> memref<64xi32, #tpu.memory_space<vmem>>
      %dma_start3A_123 = arith.constant 0 : i32
      %dma_start3A_124 = tpu.memref_slice %arg4[%dma_start3A_123] : memref<10112xf32, #tpu.memory_space<hbm>> -> memref<10112xf32, #tpu.memory_space<hbm>>
      tpu.enqueue_indirect_dma source(%dma_start3A_124 : memref<10112xf32, #tpu.memory_space<hbm>>) target(%arg24 : memref<64xf32, #tpu.memory_space<vmem>>) offsets(%dma_start3A_122 : memref<64xi32, #tpu.memory_space<vmem>>) semaphore(%arg29 : memref<!tpu.dma_semaphore, #tpu.memory_space<semaphore_mem>>)
      %scan3A_125 = arith.constant 0 : i32
      %scan3A_126 = arith.constant 0 : i32
      %scan3A_127 = arith.constant 2 : i32
      %scan3A_128 = arith.addi %scan3A_126, %scan3A_127 : i32
      %scan3A_129 = arith.constant 1 : i32
      scf.for %scan3A_131 = %scan3A_126 to %scan3A_128 step %scan3A_129  : i32 {
        %mul3A_132 = arith.constant 4 : i32
        %mul3A_133 = arith.muli %scan3A_131, %mul3A_132 : i32
        %add3A_134 = arith.constant 0 : i32
        %add3A_135 = arith.addi %mul3A_133, %add3A_134 : i32
        %dma_wait3A = arith.constant 0 : i32
        %dma_wait3A_136 = arith.constant 0 : i32
        %dma_wait3A_137 = tpu.memref_slice %arg9[%dma_wait3A, %dma_wait3A_136] : memref<8x64xi32, #tpu.memory_space<vmem>> -> memref<1x64xi32, #tpu.memory_space<vmem>>
        %dma_wait3A_138 = tpu.memref_squeeze %dma_wait3A_137 : memref<1x64xi32, #tpu.memory_space<vmem>> -> memref<64xi32, #tpu.memory_space<vmem>>
        %dma_wait3A_139 = arith.constant 0 : i32
        %dma_wait3A_140 = arith.constant 0 : i32
        %dma_wait3A_141 = tpu.memref_slice %arg2[%dma_wait3A_139, %dma_wait3A_140] : memref<10000x128xf32, #tpu.memory_space<hbm>> -> memref<10000x128xf32, #tpu.memory_space<hbm>>
        tpu.wait_indirect_dma semaphore(%arg26 : memref<!tpu.dma_semaphore, #tpu.memory_space<semaphore_mem>>) src(%dma_wait3A_141 : memref<10000x128xf32, #tpu.memory_space<hbm>>) dst(%arg13 : memref<64x128xf32, #tpu.memory_space<vmem>>)
        %dma_wait3A_142 = arith.constant 0 : i32
        %dma_wait3A_143 = arith.constant 0 : i32
        %dma_wait3A_144 = tpu.memref_slice %arg9[%dma_wait3A_142, %dma_wait3A_143] : memref<8x64xi32, #tpu.memory_space<vmem>> -> memref<1x64xi32, #tpu.memory_space<vmem>>
        %dma_wait3A_145 = tpu.memref_squeeze %dma_wait3A_144 : memref<1x64xi32, #tpu.memory_space<vmem>> -> memref<64xi32, #tpu.memory_space<vmem>>
        %dma_wait3A_146 = arith.constant 0 : i32
        %dma_wait3A_147 = tpu.memref_slice %arg3[%dma_wait3A_146] : memref<10112xf32, #tpu.memory_space<hbm>> -> memref<10112xf32, #tpu.memory_space<hbm>>
        tpu.wait_indirect_dma semaphore(%arg26 : memref<!tpu.dma_semaphore, #tpu.memory_space<semaphore_mem>>) src(%dma_wait3A_147 : memref<10112xf32, #tpu.memory_space<hbm>>) dst(%arg17 : memref<64xf32, #tpu.memory_space<vmem>>)
        %dma_wait3A_148 = arith.constant 0 : i32
        %dma_wait3A_149 = arith.constant 0 : i32
        %dma_wait3A_150 = tpu.memref_slice %arg10[%dma_wait3A_148, %dma_wait3A_149] : memref<8x64xi32, #tpu.memory_space<vmem>> -> memref<1x64xi32, #tpu.memory_space<vmem>>
        %dma_wait3A_151 = tpu.memref_squeeze %dma_wait3A_150 : memref<1x64xi32, #tpu.memory_space<vmem>> -> memref<64xi32, #tpu.memory_space<vmem>>
        %dma_wait3A_152 = arith.constant 0 : i32
        %dma_wait3A_153 = tpu.memref_slice %arg4[%dma_wait3A_152] : memref<10112xf32, #tpu.memory_space<hbm>> -> memref<10112xf32, #tpu.memory_space<hbm>>
        tpu.wait_indirect_dma semaphore(%arg26 : memref<!tpu.dma_semaphore, #tpu.memory_space<semaphore_mem>>) src(%dma_wait3A_153 : memref<10112xf32, #tpu.memory_space<hbm>>) dst(%arg21 : memref<64xf32, #tpu.memory_space<vmem>>)
        %get3A = arith.index_cast %add3A_135 : i32 to index
        %get3A_154 = arith.constant 0 : index
        %get3A_155 = tpu.vector_load %arg10[%get3A, %get3A_154] {strides = array<i32>} : memref<8x64xi32, #tpu.memory_space<vmem>>, vector<16xi32>,
        %get3A_156 = arith.constant 0 : index
        %get3A_157 = tpu.vector_load %arg17[%get3A_156] {strides = array<i32>} : memref<64xf32, #tpu.memory_space<vmem>>, vector<16xf32>,
        %get3A_158 = arith.constant 0 : index
        %get3A_159 = tpu.vector_load %arg21[%get3A_158] {strides = array<i32>} : memref<64xf32, #tpu.memory_space<vmem>>, vector<16xf32>,
        %add3A_160 = arith.addf %get3A_157, %get3A_159 : vector<16xf32>
        %neg3A = arith.constant 0.000000e+00 : f32
        %neg3A_161 = vector.broadcast %neg3A : f32 to vector<16xf32>
        %neg3A_162 = arith.subf %neg3A_161, %add3A_160 : vector<16xf32>
        %exp3A = math.exp %neg3A_162 : vector<16xf32>
        %add3A_163 = arith.constant 1.000000e+00 : f32
        %add3A_164 = vector.broadcast %add3A_163 : f32 to vector<16xf32>
        %add3A_165 = arith.addf %add3A_164, %exp3A : vector<16xf32>
        %div3A = arith.constant 1.000000e+00 : f32
        %div3A_166 = vector.broadcast %div3A : f32 to vector<16xf32>
        %div3A_167 = arith.divf %div3A_166, %add3A_165 : vector<16xf32>
        %exp3A_168 = math.exp %div3A_167 : vector<16xf32>
        %swap3A = arith.constant 0 : index
        %swap3A_169 = tpu.vector_load %arg11[%swap3A] {strides = array<i32>} : memref<64xf32, #tpu.memory_space<vmem>>, vector<16xf32>,
        tpu.vector_store %arg11[%swap3A], %exp3A_168 {strides = array<i32>} : memref<64xf32, #tpu.memory_space<vmem>>, vector<16xf32>,
        tpu.vector_store_idx %arg12[%get3A_155], %exp3A_168 {add = true} : memref<10112xf32, #tpu.memory_space<vmem>>[vector<16xi32>], vector<16xf32>,
        %get3A_170 = arith.index_cast %add3A_135 : i32 to index
        %get3A_171 = arith.constant 16 : index
        %get3A_172 = tpu.vector_load %arg10[%get3A_170, %get3A_171] {strides = array<i32>} : memref<8x64xi32, #tpu.memory_space<vmem>>, vector<16xi32>,
        %get3A_173 = arith.constant 16 : index
        %get3A_174 = tpu.vector_load %arg17[%get3A_173] {strides = array<i32>} : memref<64xf32, #tpu.memory_space<vmem>>, vector<16xf32>,
        %get3A_175 = arith.constant 16 : index
        %get3A_176 = tpu.vector_load %arg21[%get3A_175] {strides = array<i32>} : memref<64xf32, #tpu.memory_space<vmem>>, vector<16xf32>,
        %add3A_177 = arith.addf %get3A_174, %get3A_176 : vector<16xf32>
        %neg3A_178 = arith.constant 0.000000e+00 : f32
        %neg3A_179 = vector.broadcast %neg3A_178 : f32 to vector<16xf32>
        %neg3A_180 = arith.subf %neg3A_179, %add3A_177 : vector<16xf32>
        %exp3A_181 = math.exp %neg3A_180 : vector<16xf32>
        %add3A_182 = arith.constant 1.000000e+00 : f32
        %add3A_183 = vector.broadcast %add3A_182 : f32 to vector<16xf32>
        %add3A_184 = arith.addf %add3A_183, %exp3A_181 : vector<16xf32>
        %div3A_185 = arith.constant 1.000000e+00 : f32
        %div3A_186 = vector.broadcast %div3A_185 : f32 to vector<16xf32>
        %div3A_187 = arith.divf %div3A_186, %add3A_184 : vector<16xf32>
        %exp3A_188 = math.exp %div3A_187 : vector<16xf32>
        %swap3A_189 = arith.constant 16 : index
        %swap3A_190 = tpu.vector_load %arg11[%swap3A_189] {strides = array<i32>} : memref<64xf32, #tpu.memory_space<vmem>>, vector<16xf32>,
        tpu.vector_store %arg11[%swap3A_189], %exp3A_188 {strides = array<i32>} : memref<64xf32, #tpu.memory_space<vmem>>, vector<16xf32>,
        tpu.vector_store_idx %arg12[%get3A_172], %exp3A_188 {add = true} : memref<10112xf32, #tpu.memory_space<vmem>>[vector<16xi32>], vector<16xf32>,
        %get3A_191 = arith.index_cast %add3A_135 : i32 to index
        %get3A_192 = arith.constant 32 : index
        %get3A_193 = tpu.vector_load %arg10[%get3A_191, %get3A_192] {strides = array<i32>} : memref<8x64xi32, #tpu.memory_space<vmem>>, vector<16xi32>,
        %get3A_194 = arith.constant 32 : index
        %get3A_195 = tpu.vector_load %arg17[%get3A_194] {strides = array<i32>} : memref<64xf32, #tpu.memory_space<vmem>>, vector<16xf32>,
        %get3A_196 = arith.constant 32 : index
        %get3A_197 = tpu.vector_load %arg21[%get3A_196] {strides = array<i32>} : memref<64xf32, #tpu.memory_space<vmem>>, vector<16xf32>,
        %add3A_198 = arith.addf %get3A_195, %get3A_197 : vector<16xf32>
        %neg3A_199 = arith.constant 0.000000e+00 : f32
        %neg3A_200 = vector.broadcast %neg3A_199 : f32 to vector<16xf32>
        %neg3A_201 = arith.subf %neg3A_200, %add3A_198 : vector<16xf32>
        %exp3A_202 = math.exp %neg3A_201 : vector<16xf32>
        %add3A_203 = arith.constant 1.000000e+00 : f32
        %add3A_204 = vector.broadcast %add3A_203 : f32 to vector<16xf32>
        %add3A_205 = arith.addf %add3A_204, %exp3A_202 : vector<16xf32>
        %div3A_206 = arith.constant 1.000000e+00 : f32
        %div3A_207 = vector.broadcast %div3A_206 : f32 to vector<16xf32>
        %div3A_208 = arith.divf %div3A_207, %add3A_205 : vector<16xf32>
        %exp3A_209 = math.exp %div3A_208 : vector<16xf32>
        %swap3A_210 = arith.constant 32 : index
        %swap3A_211 = tpu.vector_load %arg11[%swap3A_210] {strides = array<i32>} : memref<64xf32, #tpu.memory_space<vmem>>, vector<16xf32>,
        tpu.vector_store %arg11[%swap3A_210], %exp3A_209 {strides = array<i32>} : memref<64xf32, #tpu.memory_space<vmem>>, vector<16xf32>,
        tpu.vector_store_idx %arg12[%get3A_193], %exp3A_209 {add = true} : memref<10112xf32, #tpu.memory_space<vmem>>[vector<16xi32>], vector<16xf32>,
        %get3A_212 = arith.index_cast %add3A_135 : i32 to index
        %get3A_213 = arith.constant 48 : index
        %get3A_214 = tpu.vector_load %arg10[%get3A_212, %get3A_213] {strides = array<i32>} : memref<8x64xi32, #tpu.memory_space<vmem>>, vector<16xi32>,
        %get3A_215 = arith.constant 48 : index
        %get3A_216 = tpu.vector_load %arg17[%get3A_215] {strides = array<i32>} : memref<64xf32, #tpu.memory_space<vmem>>, vector<16xf32>,
        %get3A_217 = arith.constant 48 : index
        %get3A_218 = tpu.vector_load %arg21[%get3A_217] {strides = array<i32>} : memref<64xf32, #tpu.memory_space<vmem>>, vector<16xf32>,
        %add3A_219 = arith.addf %get3A_216, %get3A_218 : vector<16xf32>
        %neg3A_220 = arith.constant 0.000000e+00 : f32
        %neg3A_221 = vector.broadcast %neg3A_220 : f32 to vector<16xf32>
        %neg3A_222 = arith.subf %neg3A_221, %add3A_219 : vector<16xf32>
        %exp3A_223 = math.exp %neg3A_222 : vector<16xf32>
        %add3A_224 = arith.constant 1.000000e+00 : f32
        %add3A_225 = vector.broadcast %add3A_224 : f32 to vector<16xf32>
        %add3A_226 = arith.addf %add3A_225, %exp3A_223 : vector<16xf32>
        %div3A_227 = arith.constant 1.000000e+00 : f32
        %div3A_228 = vector.broadcast %div3A_227 : f32 to vector<16xf32>
        %div3A_229 = arith.divf %div3A_228, %add3A_226 : vector<16xf32>
        %exp3A_230 = math.exp %div3A_229 : vector<16xf32>
        %swap3A_231 = arith.constant 48 : index
        %swap3A_232 = tpu.vector_load %arg11[%swap3A_231] {strides = array<i32>} : memref<64xf32, #tpu.memory_space<vmem>>, vector<16xf32>,
        tpu.vector_store %arg11[%swap3A_231], %exp3A_230 {strides = array<i32>} : memref<64xf32, #tpu.memory_space<vmem>>, vector<16xf32>,
        tpu.vector_store_idx %arg12[%get3A_214], %exp3A_230 {add = true} : memref<10112xf32, #tpu.memory_space<vmem>>[vector<16xi32>], vector<16xf32>,
        %scan3A_233 = arith.constant 0 : i32
        %scan3A_234 = arith.constant 0 : i32
        %scan3A_235 = arith.constant 64 : i32
        %scan3A_236 = arith.addi %scan3A_234, %scan3A_235 : i32
        %scan3A_237 = arith.constant 1 : i32
        scf.for %scan3A_603 = %scan3A_234 to %scan3A_236 step %scan3A_237  : i32 {
          %broadcast_in_dim3A_604 = vector.broadcast %scan3A_603 : i32 to vector<16xi32>
          %gather3A = tpu.vector_load_idx %arg11[%broadcast_in_dim3A_604] : memref<64xf32, #tpu.memory_space<vmem>>[vector<16xi32>], vector<16xf32>,
          %get3A_605 = arith.index_cast %scan3A_603 : i32 to index
          %get3A_606 = arith.constant 0 : index
          %get3A_607 = tpu.vector_load %arg13[%get3A_605, %get3A_606] {strides = array<i32>} : memref<64x128xf32, #tpu.memory_space<vmem>>, vector<16xf32>,
          %mul3A_608 = arith.mulf %get3A_607, %gather3A : vector<16xf32>
          %swap3A_609 = arith.index_cast %scan3A_603 : i32 to index
          %swap3A_610 = arith.constant 0 : index
          %swap3A_611 = tpu.vector_load %arg13[%swap3A_609, %swap3A_610] {strides = array<i32>} : memref<64x128xf32, #tpu.memory_space<vmem>>, vector<16xf32>,
          tpu.vector_store %arg13[%swap3A_609, %swap3A_610], %mul3A_608 {strides = array<i32>} : memref<64x128xf32, #tpu.memory_space<vmem>>, vector<16xf32>,
          %get3A_612 = arith.index_cast %scan3A_603 : i32 to index
          %get3A_613 = arith.constant 16 : index
          %get3A_614 = tpu.vector_load %arg13[%get3A_612, %get3A_613] {strides = array<i32>} : memref<64x128xf32, #tpu.memory_space<vmem>>, vector<16xf32>,
          %mul3A_615 = arith.mulf %get3A_614, %gather3A : vector<16xf32>
          %swap3A_616 = arith.index_cast %scan3A_603 : i32 to index
          %swap3A_617 = arith.constant 16 : index
          %swap3A_618 = tpu.vector_load %arg13[%swap3A_616, %swap3A_617] {strides = array<i32>} : memref<64x128xf32, #tpu.memory_space<vmem>>, vector<16xf32>,
          tpu.vector_store %arg13[%swap3A_616, %swap3A_617], %mul3A_615 {strides = array<i32>} : memref<64x128xf32, #tpu.memory_space<vmem>>, vector<16xf32>,
          %get3A_619 = arith.index_cast %scan3A_603 : i32 to index
          %get3A_620 = arith.constant 32 : index
          %get3A_621 = tpu.vector_load %arg13[%get3A_619, %get3A_620] {strides = array<i32>} : memref<64x128xf32, #tpu.memory_space<vmem>>, vector<16xf32>,
          %mul3A_622 = arith.mulf %get3A_621, %gather3A : vector<16xf32>
          %swap3A_623 = arith.index_cast %scan3A_603 : i32 to index
          %swap3A_624 = arith.constant 32 : index
          %swap3A_625 = tpu.vector_load %arg13[%swap3A_623, %swap3A_624] {strides = array<i32>} : memref<64x128xf32, #tpu.memory_space<vmem>>, vector<16xf32>,
          tpu.vector_store %arg13[%swap3A_623, %swap3A_624], %mul3A_622 {strides = array<i32>} : memref<64x128xf32, #tpu.memory_space<vmem>>, vector<16xf32>,
          %get3A_626 = arith.index_cast %scan3A_603 : i32 to index
          %get3A_627 = arith.constant 48 : index
          %get3A_628 = tpu.vector_load %arg13[%get3A_626, %get3A_627] {strides = array<i32>} : memref<64x128xf32, #tpu.memory_space<vmem>>, vector<16xf32>,
          %mul3A_629 = arith.mulf %get3A_628, %gather3A : vector<16xf32>
          %swap3A_630 = arith.index_cast %scan3A_603 : i32 to index
          %swap3A_631 = arith.constant 48 : index
          %swap3A_632 = tpu.vector_load %arg13[%swap3A_630, %swap3A_631] {strides = array<i32>} : memref<64x128xf32, #tpu.memory_space<vmem>>, vector<16xf32>,
          tpu.vector_store %arg13[%swap3A_630, %swap3A_631], %mul3A_629 {strides = array<i32>} : memref<64x128xf32, #tpu.memory_space<vmem>>, vector<16xf32>,
          %get3A_633 = arith.index_cast %scan3A_603 : i32 to index
          %get3A_634 = arith.constant 64 : index
          %get3A_635 = tpu.vector_load %arg13[%get3A_633, %get3A_634] {strides = array<i32>} : memref<64x128xf32, #tpu.memory_space<vmem>>, vector<16xf32>,
          %mul3A_636 = arith.mulf %get3A_635, %gather3A : vector<16xf32>
          %swap3A_637 = arith.index_cast %scan3A_603 : i32 to index
          %swap3A_638 = arith.constant 64 : index
          %swap3A_639 = tpu.vector_load %arg13[%swap3A_637, %swap3A_638] {strides = array<i32>} : memref<64x128xf32, #tpu.memory_space<vmem>>, vector<16xf32>,
          tpu.vector_store %arg13[%swap3A_637, %swap3A_638], %mul3A_636 {strides = array<i32>} : memref<64x128xf32, #tpu.memory_space<vmem>>, vector<16xf32>,
          %get3A_640 = arith.index_cast %scan3A_603 : i32 to index
          %get3A_641 = arith.constant 80 : index
          %get3A_642 = tpu.vector_load %arg13[%get3A_640, %get3A_641] {strides = array<i32>} : memref<64x128xf32, #tpu.memory_space<vmem>>, vector<16xf32>,
          %mul3A_643 = arith.mulf %get3A_642, %gather3A : vector<16xf32>
          %swap3A_644 = arith.index_cast %scan3A_603 : i32 to index
          %swap3A_645 = arith.constant 80 : index
          %swap3A_646 = tpu.vector_load %arg13[%swap3A_644, %swap3A_645] {strides = array<i32>} : memref<64x128xf32, #tpu.memory_space<vmem>>, vector<16xf32>,
          tpu.vector_store %arg13[%swap3A_644, %swap3A_645], %mul3A_643 {strides = array<i32>} : memref<64x128xf32, #tpu.memory_space<vmem>>, vector<16xf32>,
          %get3A_647 = arith.index_cast %scan3A_603 : i32 to index
          %get3A_648 = arith.constant 96 : index
          %get3A_649 = tpu.vector_load %arg13[%get3A_647, %get3A_648] {strides = array<i32>} : memref<64x128xf32, #tpu.memory_space<vmem>>, vector<16xf32>,
          %mul3A_650 = arith.mulf %get3A_649, %gather3A : vector<16xf32>
          %swap3A_651 = arith.index_cast %scan3A_603 : i32 to index
          %swap3A_652 = arith.constant 96 : index
          %swap3A_653 = tpu.vector_load %arg13[%swap3A_651, %swap3A_652] {strides = array<i32>} : memref<64x128xf32, #tpu.memory_space<vmem>>, vector<16xf32>,
          tpu.vector_store %arg13[%swap3A_651, %swap3A_652], %mul3A_650 {strides = array<i32>} : memref<64x128xf32, #tpu.memory_space<vmem>>, vector<16xf32>,
          %get3A_654 = arith.index_cast %scan3A_603 : i32 to index
          %get3A_655 = arith.constant 112 : index
          %get3A_656 = tpu.vector_load %arg13[%get3A_654, %get3A_655] {strides = array<i32>} : memref<64x128xf32, #tpu.memory_space<vmem>>, vector<16xf32>,
          %mul3A_657 = arith.mulf %get3A_656, %gather3A : vector<16xf32>
          %swap3A_658 = arith.index_cast %scan3A_603 : i32 to index
          %swap3A_659 = arith.constant 112 : index
          %swap3A_660 = tpu.vector_load %arg13[%swap3A_658, %swap3A_659] {strides = array<i32>} : memref<64x128xf32, #tpu.memory_space<vmem>>, vector<16xf32>,
          tpu.vector_store %arg13[%swap3A_658, %swap3A_659], %mul3A_657 {strides = array<i32>} : memref<64x128xf32, #tpu.memory_space<vmem>>, vector<16xf32>,
        }
        %scan3A_238 = arith.constant 64 : i32
        "tpu.region"() ({
          %run_scoped3A = tpu.sem_alloc : memref<!tpu.dma_semaphore, #tpu.memory_space<semaphore_mem>>
          %dma_start3A_603 = arith.constant 0 : i32
          %dma_start3A_604 = tpu.memref_slice %arg10[%add3A_135, %dma_start3A_603] : memref<8x64xi32, #tpu.memory_space<vmem>> -> memref<1x64xi32, #tpu.memory_space<vmem>>
          %dma_start3A_605 = tpu.memref_squeeze %dma_start3A_604 : memref<1x64xi32, #tpu.memory_space<vmem>> -> memref<64xi32, #tpu.memory_space<vmem>>
          %dma_start3A_606 = arith.constant 0 : i32
          %dma_start3A_607 = arith.constant 0 : i32
          %dma_start3A_608 = tpu.memref_slice %arg25[%dma_start3A_606, %dma_start3A_607] : memref<10112x128xf32, #tpu.memory_space<vmem_shared>> -> memref<10112x128xf32, #tpu.memory_space<vmem_shared>>
          tpu.enqueue_indirect_dma source(%arg13 : memref<64x128xf32, #tpu.memory_space<vmem>>) target(%dma_start3A_608 : memref<10112x128xf32, #tpu.memory_space<vmem_shared>>) offsets(%dma_start3A_605 : memref<64xi32, #tpu.memory_space<vmem>>) semaphore(%run_scoped3A : memref<!tpu.dma_semaphore, #tpu.memory_space<semaphore_mem>>) {add = true}
          %dma_wait3A_609 = arith.constant 0 : i32
          %dma_wait3A_610 = tpu.memref_slice %arg10[%add3A_135, %dma_wait3A_609] : memref<8x64xi32, #tpu.memory_space<vmem>> -> memref<1x64xi32, #tpu.memory_space<vmem>>
          %dma_wait3A_611 = tpu.memref_squeeze %dma_wait3A_610 : memref<1x64xi32, #tpu.memory_space<vmem>> -> memref<64xi32, #tpu.memory_space<vmem>>
          %dma_wait3A_612 = arith.constant 0 : i32
          %dma_wait3A_613 = arith.constant 0 : i32
          %dma_wait3A_614 = tpu.memref_slice %arg25[%dma_wait3A_612, %dma_wait3A_613] : memref<10112x128xf32, #tpu.memory_space<vmem_shared>> -> memref<10112x128xf32, #tpu.memory_space<vmem_shared>>
          tpu.wait_indirect_dma semaphore(%run_scoped3A : memref<!tpu.dma_semaphore, #tpu.memory_space<semaphore_mem>>) src(%arg13 : memref<64x128xf32, #tpu.memory_space<vmem>>) dst(%dma_wait3A_614 : memref<10112x128xf32, #tpu.memory_space<vmem_shared>>)
          tpu.yield
        }) : () -> ()
        %add3A_239 = arith.constant 4 : i32
        %add3A_240 = arith.addi %add3A_135, %add3A_239 : i32
        %lt3A = arith.constant 8 : i32
        %lt3A_241 = arith.cmpi slt, %add3A_240, %lt3A : i32
        %convert_element_type3A = arith.extui %lt3A_241 : i1 to i32
        %cond3A = arith.constant 0 : i32
        %cond3A_242 = arith.cmpi ne, %convert_element_type3A, %cond3A : i32
        scf.if %cond3A_242 {
          %add3A_603 = arith.constant 4 : i32
          %add3A_604 = arith.addi %add3A_135, %add3A_603 : i32
          %dma_start3A_605 = arith.constant 0 : i32
          %dma_start3A_606 = tpu.memref_slice %arg9[%add3A_604, %dma_start3A_605] : memref<8x64xi32, #tpu.memory_space<vmem>> -> memref<1x64xi32, #tpu.memory_space<vmem>>
          %dma_start3A_607 = tpu.memref_squeeze %dma_start3A_606 : memref<1x64xi32, #tpu.memory_space<vmem>> -> memref<64xi32, #tpu.memory_space<vmem>>
          %dma_start3A_608 = arith.constant 0 : i32
          %dma_start3A_609 = arith.constant 0 : i32
          %dma_start3A_610 = tpu.memref_slice %arg2[%dma_start3A_608, %dma_start3A_609] : memref<10000x128xf32, #tpu.memory_space<hbm>> -> memref<10000x128xf32, #tpu.memory_space<hbm>>
          tpu.enqueue_indirect_dma source(%dma_start3A_610 : memref<10000x128xf32, #tpu.memory_space<hbm>>) target(%arg13 : memref<64x128xf32, #tpu.memory_space<vmem>>) offsets(%dma_start3A_607 : memref<64xi32, #tpu.memory_space<vmem>>) semaphore(%arg26 : memref<!tpu.dma_semaphore, #tpu.memory_space<semaphore_mem>>)
          %dma_start3A_611 = arith.constant 0 : i32
          %dma_start3A_612 = tpu.memref_slice %arg9[%add3A_604, %dma_start3A_611] : memref<8x64xi32, #tpu.memory_space<vmem>> -> memref<1x64xi32, #tpu.memory_space<vmem>>
          %dma_start3A_613 = tpu.memref_squeeze %dma_start3A_612 : memref<1x64xi32, #tpu.memory_space<vmem>> -> memref<64xi32, #tpu.memory_space<vmem>>
          %dma_start3A_614 = arith.constant 0 : i32
          %dma_start3A_615 = tpu.memref_slice %arg3[%dma_start3A_614] : memref<10112xf32, #tpu.memory_space<hbm>> -> memref<10112xf32, #tpu.memory_space<hbm>>
          tpu.enqueue_indirect_dma source(%dma_start3A_615 : memref<10112xf32, #tpu.memory_space<hbm>>) target(%arg17 : memref<64xf32, #tpu.memory_space<vmem>>) offsets(%dma_start3A_613 : memref<64xi32, #tpu.memory_space<vmem>>) semaphore(%arg26 : memref<!tpu.dma_semaphore, #tpu.memory_space<semaphore_mem>>)
          %dma_start3A_616 = arith.constant 0 : i32
          %dma_start3A_617 = tpu.memref_slice %arg10[%add3A_604, %dma_start3A_616] : memref<8x64xi32, #tpu.memory_space<vmem>> -> memref<1x64xi32, #tpu.memory_space<vmem>>
          %dma_start3A_618 = tpu.memref_squeeze %dma_start3A_617 : memref<1x64xi32, #tpu.memory_space<vmem>> -> memref<64xi32, #tpu.memory_space<vmem>>
          %dma_start3A_619 = arith.constant 0 : i32
          %dma_start3A_620 = tpu.memref_slice %arg4[%dma_start3A_619] : memref<10112xf32, #tpu.memory_space<hbm>> -> memref<10112xf32, #tpu.memory_space<hbm>>
          tpu.enqueue_indirect_dma source(%dma_start3A_620 : memref<10112xf32, #tpu.memory_space<hbm>>) target(%arg21 : memref<64xf32, #tpu.memory_space<vmem>>) offsets(%dma_start3A_618 : memref<64xi32, #tpu.memory_space<vmem>>) semaphore(%arg26 : memref<!tpu.dma_semaphore, #tpu.memory_space<semaphore_mem>>)
        } else {
        }
        %mul3A_243 = arith.constant 4 : i32
        %mul3A_244 = arith.muli %scan3A_131, %mul3A_243 : i32
        %add3A_245 = arith.constant 1 : i32
        %add3A_246 = arith.addi %mul3A_244, %add3A_245 : i32
        %dma_wait3A_247 = arith.constant 0 : i32
        %dma_wait3A_248 = arith.constant 0 : i32
        %dma_wait3A_249 = tpu.memref_slice %arg9[%dma_wait3A_247, %dma_wait3A_248] : memref<8x64xi32, #tpu.memory_space<vmem>> -> memref<1x64xi32, #tpu.memory_space<vmem>>
        %dma_wait3A_250 = tpu.memref_squeeze %dma_wait3A_249 : memref<1x64xi32, #tpu.memory_space<vmem>> -> memref<64xi32, #tpu.memory_space<vmem>>
        %dma_wait3A_251 = arith.constant 0 : i32
        %dma_wait3A_252 = arith.constant 0 : i32
        %dma_wait3A_253 = tpu.memref_slice %arg2[%dma_wait3A_251, %dma_wait3A_252] : memref<10000x128xf32, #tpu.memory_space<hbm>> -> memref<10000x128xf32, #tpu.memory_space<hbm>>
        tpu.wait_indirect_dma semaphore(%arg27 : memref<!tpu.dma_semaphore, #tpu.memory_space<semaphore_mem>>) src(%dma_wait3A_253 : memref<10000x128xf32, #tpu.memory_space<hbm>>) dst(%arg14 : memref<64x128xf32, #tpu.memory_space<vmem>>)
        %dma_wait3A_254 = arith.constant 0 : i32
        %dma_wait3A_255 = arith.constant 0 : i32
        %dma_wait3A_256 = tpu.memref_slice %arg9[%dma_wait3A_254, %dma_wait3A_255] : memref<8x64xi32, #tpu.memory_space<vmem>> -> memref<1x64xi32, #tpu.memory_space<vmem>>
        %dma_wait3A_257 = tpu.memref_squeeze %dma_wait3A_256 : memref<1x64xi32, #tpu.memory_space<vmem>> -> memref<64xi32, #tpu.memory_space<vmem>>
        %dma_wait3A_258 = arith.constant 0 : i32
        %dma_wait3A_259 = tpu.memref_slice %arg3[%dma_wait3A_258] : memref<10112xf32, #tpu.memory_space<hbm>> -> memref<10112xf32, #tpu.memory_space<hbm>>
        tpu.wait_indirect_dma semaphore(%arg27 : memref<!tpu.dma_semaphore, #tpu.memory_space<semaphore_mem>>) src(%dma_wait3A_259 : memref<10112xf32, #tpu.memory_space<hbm>>) dst(%arg18 : memref<64xf32, #tpu.memory_space<vmem>>)
        %dma_wait3A_260 = arith.constant 0 : i32
        %dma_wait3A_261 = arith.constant 0 : i32
        %dma_wait3A_262 = tpu.memref_slice %arg10[%dma_wait3A_260, %dma_wait3A_261] : memref<8x64xi32, #tpu.memory_space<vmem>> -> memref<1x64xi32, #tpu.memory_space<vmem>>
        %dma_wait3A_263 = tpu.memref_squeeze %dma_wait3A_262 : memref<1x64xi32, #tpu.memory_space<vmem>> -> memref<64xi32, #tpu.memory_space<vmem>>
        %dma_wait3A_264 = arith.constant 0 : i32
        %dma_wait3A_265 = tpu.memref_slice %arg4[%dma_wait3A_264] : memref<10112xf32, #tpu.memory_space<hbm>> -> memref<10112xf32, #tpu.memory_space<hbm>>
        tpu.wait_indirect_dma semaphore(%arg27 : memref<!tpu.dma_semaphore, #tpu.memory_space<semaphore_mem>>) src(%dma_wait3A_265 : memref<10112xf32, #tpu.memory_space<hbm>>) dst(%arg22 : memref<64xf32, #tpu.memory_space<vmem>>)
        %get3A_266 = arith.index_cast %add3A_246 : i32 to index
        %get3A_267 = arith.constant 0 : index
        %get3A_268 = tpu.vector_load %arg10[%get3A_266, %get3A_267] {strides = array<i32>} : memref<8x64xi32, #tpu.memory_space<vmem>>, vector<16xi32>,
        %get3A_269 = arith.constant 0 : index
        %get3A_270 = tpu.vector_load %arg18[%get3A_269] {strides = array<i32>} : memref<64xf32, #tpu.memory_space<vmem>>, vector<16xf32>,
        %get3A_271 = arith.constant 0 : index
        %get3A_272 = tpu.vector_load %arg22[%get3A_271] {strides = array<i32>} : memref<64xf32, #tpu.memory_space<vmem>>, vector<16xf32>,
        %add3A_273 = arith.addf %get3A_270, %get3A_272 : vector<16xf32>
        %neg3A_274 = arith.constant 0.000000e+00 : f32
        %neg3A_275 = vector.broadcast %neg3A_274 : f32 to vector<16xf32>
        %neg3A_276 = arith.subf %neg3A_275, %add3A_273 : vector<16xf32>
        %exp3A_277 = math.exp %neg3A_276 : vector<16xf32>
        %add3A_278 = arith.constant 1.000000e+00 : f32
        %add3A_279 = vector.broadcast %add3A_278 : f32 to vector<16xf32>
        %add3A_280 = arith.addf %add3A_279, %exp3A_277 : vector<16xf32>
        %div3A_281 = arith.constant 1.000000e+00 : f32
        %div3A_282 = vector.broadcast %div3A_281 : f32 to vector<16xf32>
        %div3A_283 = arith.divf %div3A_282, %add3A_280 : vector<16xf32>
        %exp3A_284 = math.exp %div3A_283 : vector<16xf32>
        %swap3A_285 = arith.constant 0 : index
        %swap3A_286 = tpu.vector_load %arg11[%swap3A_285] {strides = array<i32>} : memref<64xf32, #tpu.memory_space<vmem>>, vector<16xf32>,
        tpu.vector_store %arg11[%swap3A_285], %exp3A_284 {strides = array<i32>} : memref<64xf32, #tpu.memory_space<vmem>>, vector<16xf32>,
        tpu.vector_store_idx %arg12[%get3A_268], %exp3A_284 {add = true} : memref<10112xf32, #tpu.memory_space<vmem>>[vector<16xi32>], vector<16xf32>,
        %get3A_287 = arith.index_cast %add3A_246 : i32 to index
        %get3A_288 = arith.constant 16 : index
        %get3A_289 = tpu.vector_load %arg10[%get3A_287, %get3A_288] {strides = array<i32>} : memref<8x64xi32, #tpu.memory_space<vmem>>, vector<16xi32>,
        %get3A_290 = arith.constant 16 : index
        %get3A_291 = tpu.vector_load %arg18[%get3A_290] {strides = array<i32>} : memref<64xf32, #tpu.memory_space<vmem>>, vector<16xf32>,
        %get3A_292 = arith.constant 16 : index
        %get3A_293 = tpu.vector_load %arg22[%get3A_292] {strides = array<i32>} : memref<64xf32, #tpu.memory_space<vmem>>, vector<16xf32>,
        %add3A_294 = arith.addf %get3A_291, %get3A_293 : vector<16xf32>
        %neg3A_295 = arith.constant 0.000000e+00 : f32
        %neg3A_296 = vector.broadcast %neg3A_295 : f32 to vector<16xf32>
        %neg3A_297 = arith.subf %neg3A_296, %add3A_294 : vector<16xf32>
        %exp3A_298 = math.exp %neg3A_297 : vector<16xf32>
        %add3A_299 = arith.constant 1.000000e+00 : f32
        %add3A_300 = vector.broadcast %add3A_299 : f32 to vector<16xf32>
        %add3A_301 = arith.addf %add3A_300, %exp3A_298 : vector<16xf32>
        %div3A_302 = arith.constant 1.000000e+00 : f32
        %div3A_303 = vector.broadcast %div3A_302 : f32 to vector<16xf32>
        %div3A_304 = arith.divf %div3A_303, %add3A_301 : vector<16xf32>
        %exp3A_305 = math.exp %div3A_304 : vector<16xf32>
        %swap3A_306 = arith.constant 16 : index
        %swap3A_307 = tpu.vector_load %arg11[%swap3A_306] {strides = array<i32>} : memref<64xf32, #tpu.memory_space<vmem>>, vector<16xf32>,
        tpu.vector_store %arg11[%swap3A_306], %exp3A_305 {strides = array<i32>} : memref<64xf32, #tpu.memory_space<vmem>>, vector<16xf32>,
        tpu.vector_store_idx %arg12[%get3A_289], %exp3A_305 {add = true} : memref<10112xf32, #tpu.memory_space<vmem>>[vector<16xi32>], vector<16xf32>,
        %get3A_308 = arith.index_cast %add3A_246 : i32 to index
        %get3A_309 = arith.constant 32 : index
        %get3A_310 = tpu.vector_load %arg10[%get3A_308, %get3A_309] {strides = array<i32>} : memref<8x64xi32, #tpu.memory_space<vmem>>, vector<16xi32>,
        %get3A_311 = arith.constant 32 : index
        %get3A_312 = tpu.vector_load %arg18[%get3A_311] {strides = array<i32>} : memref<64xf32, #tpu.memory_space<vmem>>, vector<16xf32>,
        %get3A_313 = arith.constant 32 : index
        %get3A_314 = tpu.vector_load %arg22[%get3A_313] {strides = array<i32>} : memref<64xf32, #tpu.memory_space<vmem>>, vector<16xf32>,
        %add3A_315 = arith.addf %get3A_312, %get3A_314 : vector<16xf32>
        %neg3A_316 = arith.constant 0.000000e+00 : f32
        %neg3A_317 = vector.broadcast %neg3A_316 : f32 to vector<16xf32>
        %neg3A_318 = arith.subf %neg3A_317, %add3A_315 : vector<16xf32>
        %exp3A_319 = math.exp %neg3A_318 : vector<16xf32>
        %add3A_320 = arith.constant 1.000000e+00 : f32
        %add3A_321 = vector.broadcast %add3A_320 : f32 to vector<16xf32>
        %add3A_322 = arith.addf %add3A_321, %exp3A_319 : vector<16xf32>
        %div3A_323 = arith.constant 1.000000e+00 : f32
        %div3A_324 = vector.broadcast %div3A_323 : f32 to vector<16xf32>
        %div3A_325 = arith.divf %div3A_324, %add3A_322 : vector<16xf32>
        %exp3A_326 = math.exp %div3A_325 : vector<16xf32>
        %swap3A_327 = arith.constant 32 : index
        %swap3A_328 = tpu.vector_load %arg11[%swap3A_327] {strides = array<i32>} : memref<64xf32, #tpu.memory_space<vmem>>, vector<16xf32>,
        tpu.vector_store %arg11[%swap3A_327], %exp3A_326 {strides = array<i32>} : memref<64xf32, #tpu.memory_space<vmem>>, vector<16xf32>,
        tpu.vector_store_idx %arg12[%get3A_310], %exp3A_326 {add = true} : memref<10112xf32, #tpu.memory_space<vmem>>[vector<16xi32>], vector<16xf32>,
        %get3A_329 = arith.index_cast %add3A_246 : i32 to index
        %get3A_330 = arith.constant 48 : index
        %get3A_331 = tpu.vector_load %arg10[%get3A_329, %get3A_330] {strides = array<i32>} : memref<8x64xi32, #tpu.memory_space<vmem>>, vector<16xi32>,
        %get3A_332 = arith.constant 48 : index
        %get3A_333 = tpu.vector_load %arg18[%get3A_332] {strides = array<i32>} : memref<64xf32, #tpu.memory_space<vmem>>, vector<16xf32>,
        %get3A_334 = arith.constant 48 : index
        %get3A_335 = tpu.vector_load %arg22[%get3A_334] {strides = array<i32>} : memref<64xf32, #tpu.memory_space<vmem>>, vector<16xf32>,
        %add3A_336 = arith.addf %get3A_333, %get3A_335 : vector<16xf32>
        %neg3A_337 = arith.constant 0.000000e+00 : f32
        %neg3A_338 = vector.broadcast %neg3A_337 : f32 to vector<16xf32>
        %neg3A_339 = arith.subf %neg3A_338, %add3A_336 : vector<16xf32>
        %exp3A_340 = math.exp %neg3A_339 : vector<16xf32>
        %add3A_341 = arith.constant 1.000000e+00 : f32
        %add3A_342 = vector.broadcast %add3A_341 : f32 to vector<16xf32>
        %add3A_343 = arith.addf %add3A_342, %exp3A_340 : vector<16xf32>
        %div3A_344 = arith.constant 1.000000e+00 : f32
        %div3A_345 = vector.broadcast %div3A_344 : f32 to vector<16xf32>
        %div3A_346 = arith.divf %div3A_345, %add3A_343 : vector<16xf32>
        %exp3A_347 = math.exp %div3A_346 : vector<16xf32>
        %swap3A_348 = arith.constant 48 : index
        %swap3A_349 = tpu.vector_load %arg11[%swap3A_348] {strides = array<i32>} : memref<64xf32, #tpu.memory_space<vmem>>, vector<16xf32>,
        tpu.vector_store %arg11[%swap3A_348], %exp3A_347 {strides = array<i32>} : memref<64xf32, #tpu.memory_space<vmem>>, vector<16xf32>,
        tpu.vector_store_idx %arg12[%get3A_331], %exp3A_347 {add = true} : memref<10112xf32, #tpu.memory_space<vmem>>[vector<16xi32>], vector<16xf32>,
        %scan3A_350 = arith.constant 0 : i32
        %scan3A_351 = arith.constant 0 : i32
        %scan3A_352 = arith.constant 64 : i32
        %scan3A_353 = arith.addi %scan3A_351, %scan3A_352 : i32
        %scan3A_354 = arith.constant 1 : i32
        scf.for %scan3A_603 = %scan3A_351 to %scan3A_353 step %scan3A_354  : i32 {
          %broadcast_in_dim3A_604 = vector.broadcast %scan3A_603 : i32 to vector<16xi32>
          %gather3A = tpu.vector_load_idx %arg11[%broadcast_in_dim3A_604] : memref<64xf32, #tpu.memory_space<vmem>>[vector<16xi32>], vector<16xf32>,
          %get3A_605 = arith.index_cast %scan3A_603 : i32 to index
          %get3A_606 = arith.constant 0 : index
          %get3A_607 = tpu.vector_load %arg14[%get3A_605, %get3A_606] {strides = array<i32>} : memref<64x128xf32, #tpu.memory_space<vmem>>, vector<16xf32>,
          %mul3A_608 = arith.mulf %get3A_607, %gather3A : vector<16xf32>
          %swap3A_609 = arith.index_cast %scan3A_603 : i32 to index
          %swap3A_610 = arith.constant 0 : index
          %swap3A_611 = tpu.vector_load %arg14[%swap3A_609, %swap3A_610] {strides = array<i32>} : memref<64x128xf32, #tpu.memory_space<vmem>>, vector<16xf32>,
          tpu.vector_store %arg14[%swap3A_609, %swap3A_610], %mul3A_608 {strides = array<i32>} : memref<64x128xf32, #tpu.memory_space<vmem>>, vector<16xf32>,
          %get3A_612 = arith.index_cast %scan3A_603 : i32 to index
          %get3A_613 = arith.constant 16 : index
          %get3A_614 = tpu.vector_load %arg14[%get3A_612, %get3A_613] {strides = array<i32>} : memref<64x128xf32, #tpu.memory_space<vmem>>, vector<16xf32>,
          %mul3A_615 = arith.mulf %get3A_614, %gather3A : vector<16xf32>
          %swap3A_616 = arith.index_cast %scan3A_603 : i32 to index
          %swap3A_617 = arith.constant 16 : index
          %swap3A_618 = tpu.vector_load %arg14[%swap3A_616, %swap3A_617] {strides = array<i32>} : memref<64x128xf32, #tpu.memory_space<vmem>>, vector<16xf32>,
          tpu.vector_store %arg14[%swap3A_616, %swap3A_617], %mul3A_615 {strides = array<i32>} : memref<64x128xf32, #tpu.memory_space<vmem>>, vector<16xf32>,
          %get3A_619 = arith.index_cast %scan3A_603 : i32 to index
          %get3A_620 = arith.constant 32 : index
          %get3A_621 = tpu.vector_load %arg14[%get3A_619, %get3A_620] {strides = array<i32>} : memref<64x128xf32, #tpu.memory_space<vmem>>, vector<16xf32>,
          %mul3A_622 = arith.mulf %get3A_621, %gather3A : vector<16xf32>
          %swap3A_623 = arith.index_cast %scan3A_603 : i32 to index
          %swap3A_624 = arith.constant 32 : index
          %swap3A_625 = tpu.vector_load %arg14[%swap3A_623, %swap3A_624] {strides = array<i32>} : memref<64x128xf32, #tpu.memory_space<vmem>>, vector<16xf32>,
          tpu.vector_store %arg14[%swap3A_623, %swap3A_624], %mul3A_622 {strides = array<i32>} : memref<64x128xf32, #tpu.memory_space<vmem>>, vector<16xf32>,
          %get3A_626 = arith.index_cast %scan3A_603 : i32 to index
          %get3A_627 = arith.constant 48 : index
          %get3A_628 = tpu.vector_load %arg14[%get3A_626, %get3A_627] {strides = array<i32>} : memref<64x128xf32, #tpu.memory_space<vmem>>, vector<16xf32>,
          %mul3A_629 = arith.mulf %get3A_628, %gather3A : vector<16xf32>
          %swap3A_630 = arith.index_cast %scan3A_603 : i32 to index
          %swap3A_631 = arith.constant 48 : index
          %swap3A_632 = tpu.vector_load %arg14[%swap3A_630, %swap3A_631] {strides = array<i32>} : memref<64x128xf32, #tpu.memory_space<vmem>>, vector<16xf32>,
          tpu.vector_store %arg14[%swap3A_630, %swap3A_631], %mul3A_629 {strides = array<i32>} : memref<64x128xf32, #tpu.memory_space<vmem>>, vector<16xf32>,
          %get3A_633 = arith.index_cast %scan3A_603 : i32 to index
          %get3A_634 = arith.constant 64 : index
          %get3A_635 = tpu.vector_load %arg14[%get3A_633, %get3A_634] {strides = array<i32>} : memref<64x128xf32, #tpu.memory_space<vmem>>, vector<16xf32>,
          %mul3A_636 = arith.mulf %get3A_635, %gather3A : vector<16xf32>
          %swap3A_637 = arith.index_cast %scan3A_603 : i32 to index
          %swap3A_638 = arith.constant 64 : index
          %swap3A_639 = tpu.vector_load %arg14[%swap3A_637, %swap3A_638] {strides = array<i32>} : memref<64x128xf32, #tpu.memory_space<vmem>>, vector<16xf32>,
          tpu.vector_store %arg14[%swap3A_637, %swap3A_638], %mul3A_636 {strides = array<i32>} : memref<64x128xf32, #tpu.memory_space<vmem>>, vector<16xf32>,
          %get3A_640 = arith.index_cast %scan3A_603 : i32 to index
          %get3A_641 = arith.constant 80 : index
          %get3A_642 = tpu.vector_load %arg14[%get3A_640, %get3A_641] {strides = array<i32>} : memref<64x128xf32, #tpu.memory_space<vmem>>, vector<16xf32>,
          %mul3A_643 = arith.mulf %get3A_642, %gather3A : vector<16xf32>
          %swap3A_644 = arith.index_cast %scan3A_603 : i32 to index
          %swap3A_645 = arith.constant 80 : index
          %swap3A_646 = tpu.vector_load %arg14[%swap3A_644, %swap3A_645] {strides = array<i32>} : memref<64x128xf32, #tpu.memory_space<vmem>>, vector<16xf32>,
          tpu.vector_store %arg14[%swap3A_644, %swap3A_645], %mul3A_643 {strides = array<i32>} : memref<64x128xf32, #tpu.memory_space<vmem>>, vector<16xf32>,
          %get3A_647 = arith.index_cast %scan3A_603 : i32 to index
          %get3A_648 = arith.constant 96 : index
          %get3A_649 = tpu.vector_load %arg14[%get3A_647, %get3A_648] {strides = array<i32>} : memref<64x128xf32, #tpu.memory_space<vmem>>, vector<16xf32>,
          %mul3A_650 = arith.mulf %get3A_649, %gather3A : vector<16xf32>
          %swap3A_651 = arith.index_cast %scan3A_603 : i32 to index
          %swap3A_652 = arith.constant 96 : index
          %swap3A_653 = tpu.vector_load %arg14[%swap3A_651, %swap3A_652] {strides = array<i32>} : memref<64x128xf32, #tpu.memory_space<vmem>>, vector<16xf32>,
          tpu.vector_store %arg14[%swap3A_651, %swap3A_652], %mul3A_650 {strides = array<i32>} : memref<64x128xf32, #tpu.memory_space<vmem>>, vector<16xf32>,
          %get3A_654 = arith.index_cast %scan3A_603 : i32 to index
          %get3A_655 = arith.constant 112 : index
          %get3A_656 = tpu.vector_load %arg14[%get3A_654, %get3A_655] {strides = array<i32>} : memref<64x128xf32, #tpu.memory_space<vmem>>, vector<16xf32>,
          %mul3A_657 = arith.mulf %get3A_656, %gather3A : vector<16xf32>
          %swap3A_658 = arith.index_cast %scan3A_603 : i32 to index
          %swap3A_659 = arith.constant 112 : index
          %swap3A_660 = tpu.vector_load %arg14[%swap3A_658, %swap3A_659] {strides = array<i32>} : memref<64x128xf32, #tpu.memory_space<vmem>>, vector<16xf32>,
          tpu.vector_store %arg14[%swap3A_658, %swap3A_659], %mul3A_657 {strides = array<i32>} : memref<64x128xf32, #tpu.memory_space<vmem>>, vector<16xf32>,
        }
        %scan3A_355 = arith.constant 64 : i32
        "tpu.region"() ({
          %run_scoped3A = tpu.sem_alloc : memref<!tpu.dma_semaphore, #tpu.memory_space<semaphore_mem>>
          %dma_start3A_603 = arith.constant 0 : i32
          %dma_start3A_604 = tpu.memref_slice %arg10[%add3A_246, %dma_start3A_603] : memref<8x64xi32, #tpu.memory_space<vmem>> -> memref<1x64xi32, #tpu.memory_space<vmem>>
          %dma_start3A_605 = tpu.memref_squeeze %dma_start3A_604 : memref<1x64xi32, #tpu.memory_space<vmem>> -> memref<64xi32, #tpu.memory_space<vmem>>
          %dma_start3A_606 = arith.constant 0 : i32
          %dma_start3A_607 = arith.constant 0 : i32
          %dma_start3A_608 = tpu.memref_slice %arg25[%dma_start3A_606, %dma_start3A_607] : memref<10112x128xf32, #tpu.memory_space<vmem_shared>> -> memref<10112x128xf32, #tpu.memory_space<vmem_shared>>
          tpu.enqueue_indirect_dma source(%arg14 : memref<64x128xf32, #tpu.memory_space<vmem>>) target(%dma_start3A_608 : memref<10112x128xf32, #tpu.memory_space<vmem_shared>>) offsets(%dma_start3A_605 : memref<64xi32, #tpu.memory_space<vmem>>) semaphore(%run_scoped3A : memref<!tpu.dma_semaphore, #tpu.memory_space<semaphore_mem>>) {add = true}
          %dma_wait3A_609 = arith.constant 0 : i32
          %dma_wait3A_610 = tpu.memref_slice %arg10[%add3A_246, %dma_wait3A_609] : memref<8x64xi32, #tpu.memory_space<vmem>> -> memref<1x64xi32, #tpu.memory_space<vmem>>
          %dma_wait3A_611 = tpu.memref_squeeze %dma_wait3A_610 : memref<1x64xi32, #tpu.memory_space<vmem>> -> memref<64xi32, #tpu.memory_space<vmem>>
          %dma_wait3A_612 = arith.constant 0 : i32
          %dma_wait3A_613 = arith.constant 0 : i32
          %dma_wait3A_614 = tpu.memref_slice %arg25[%dma_wait3A_612, %dma_wait3A_613] : memref<10112x128xf32, #tpu.memory_space<vmem_shared>> -> memref<10112x128xf32, #tpu.memory_space<vmem_shared>>
          tpu.wait_indirect_dma semaphore(%run_scoped3A : memref<!tpu.dma_semaphore, #tpu.memory_space<semaphore_mem>>) src(%arg14 : memref<64x128xf32, #tpu.memory_space<vmem>>) dst(%dma_wait3A_614 : memref<10112x128xf32, #tpu.memory_space<vmem_shared>>)
          tpu.yield
        }) : () -> ()
        %add3A_356 = arith.constant 4 : i32
        %add3A_357 = arith.addi %add3A_246, %add3A_356 : i32
        %lt3A_358 = arith.constant 8 : i32
        %lt3A_359 = arith.cmpi slt, %add3A_357, %lt3A_358 : i32
        %convert_element_type3A_360 = arith.extui %lt3A_359 : i1 to i32
        %cond3A_361 = arith.constant 0 : i32
        %cond3A_362 = arith.cmpi ne, %convert_element_type3A_360, %cond3A_361 : i32
        scf.if %cond3A_362 {
          %add3A_603 = arith.constant 4 : i32
          %add3A_604 = arith.addi %add3A_246, %add3A_603 : i32
          %dma_start3A_605 = arith.constant 0 : i32
          %dma_start3A_606 = tpu.memref_slice %arg9[%add3A_604, %dma_start3A_605] : memref<8x64xi32, #tpu.memory_space<vmem>> -> memref<1x64xi32, #tpu.memory_space<vmem>>
          %dma_start3A_607 = tpu.memref_squeeze %dma_start3A_606 : memref<1x64xi32, #tpu.memory_space<vmem>> -> memref<64xi32, #tpu.memory_space<vmem>>
          %dma_start3A_608 = arith.constant 0 : i32
          %dma_start3A_609 = arith.constant 0 : i32
          %dma_start3A_610 = tpu.memref_slice %arg2[%dma_start3A_608, %dma_start3A_609] : memref<10000x128xf32, #tpu.memory_space<hbm>> -> memref<10000x128xf32, #tpu.memory_space<hbm>>
          tpu.enqueue_indirect_dma source(%dma_start3A_610 : memref<10000x128xf32, #tpu.memory_space<hbm>>) target(%arg14 : memref<64x128xf32, #tpu.memory_space<vmem>>) offsets(%dma_start3A_607 : memref<64xi32, #tpu.memory_space<vmem>>) semaphore(%arg27 : memref<!tpu.dma_semaphore, #tpu.memory_space<semaphore_mem>>)
          %dma_start3A_611 = arith.constant 0 : i32
          %dma_start3A_612 = tpu.memref_slice %arg9[%add3A_604, %dma_start3A_611] : memref<8x64xi32, #tpu.memory_space<vmem>> -> memref<1x64xi32, #tpu.memory_space<vmem>>
          %dma_start3A_613 = tpu.memref_squeeze %dma_start3A_612 : memref<1x64xi32, #tpu.memory_space<vmem>> -> memref<64xi32, #tpu.memory_space<vmem>>
          %dma_start3A_614 = arith.constant 0 : i32
          %dma_start3A_615 = tpu.memref_slice %arg3[%dma_start3A_614] : memref<10112xf32, #tpu.memory_space<hbm>> -> memref<10112xf32, #tpu.memory_space<hbm>>
          tpu.enqueue_indirect_dma source(%dma_start3A_615 : memref<10112xf32, #tpu.memory_space<hbm>>) target(%arg18 : memref<64xf32, #tpu.memory_space<vmem>>) offsets(%dma_start3A_613 : memref<64xi32, #tpu.memory_space<vmem>>) semaphore(%arg27 : memref<!tpu.dma_semaphore, #tpu.memory_space<semaphore_mem>>)
          %dma_start3A_616 = arith.constant 0 : i32
          %dma_start3A_617 = tpu.memref_slice %arg10[%add3A_604, %dma_start3A_616] : memref<8x64xi32, #tpu.memory_space<vmem>> -> memref<1x64xi32, #tpu.memory_space<vmem>>
          %dma_start3A_618 = tpu.memref_squeeze %dma_start3A_617 : memref<1x64xi32, #tpu.memory_space<vmem>> -> memref<64xi32, #tpu.memory_space<vmem>>
          %dma_start3A_619 = arith.constant 0 : i32
          %dma_start3A_620 = tpu.memref_slice %arg4[%dma_start3A_619] : memref<10112xf32, #tpu.memory_space<hbm>> -> memref<10112xf32, #tpu.memory_space<hbm>>
          tpu.enqueue_indirect_dma source(%dma_start3A_620 : memref<10112xf32, #tpu.memory_space<hbm>>) target(%arg22 : memref<64xf32, #tpu.memory_space<vmem>>) offsets(%dma_start3A_618 : memref<64xi32, #tpu.memory_space<vmem>>) semaphore(%arg27 : memref<!tpu.dma_semaphore, #tpu.memory_space<semaphore_mem>>)
        } else {
        }
        %mul3A_363 = arith.constant 4 : i32
        %mul3A_364 = arith.muli %scan3A_131, %mul3A_363 : i32
        %add3A_365 = arith.constant 2 : i32
        %add3A_366 = arith.addi %mul3A_364, %add3A_365 : i32
        %dma_wait3A_367 = arith.constant 0 : i32
        %dma_wait3A_368 = arith.constant 0 : i32
        %dma_wait3A_369 = tpu.memref_slice %arg9[%dma_wait3A_367, %dma_wait3A_368] : memref<8x64xi32, #tpu.memory_space<vmem>> -> memref<1x64xi32, #tpu.memory_space<vmem>>
        %dma_wait3A_370 = tpu.memref_squeeze %dma_wait3A_369 : memref<1x64xi32, #tpu.memory_space<vmem>> -> memref<64xi32, #tpu.memory_space<vmem>>
        %dma_wait3A_371 = arith.constant 0 : i32
        %dma_wait3A_372 = arith.constant 0 : i32
        %dma_wait3A_373 = tpu.memref_slice %arg2[%dma_wait3A_371, %dma_wait3A_372] : memref<10000x128xf32, #tpu.memory_space<hbm>> -> memref<10000x128xf32, #tpu.memory_space<hbm>>
        tpu.wait_indirect_dma semaphore(%arg28 : memref<!tpu.dma_semaphore, #tpu.memory_space<semaphore_mem>>) src(%dma_wait3A_373 : memref<10000x128xf32, #tpu.memory_space<hbm>>) dst(%arg15 : memref<64x128xf32, #tpu.memory_space<vmem>>)
        %dma_wait3A_374 = arith.constant 0 : i32
        %dma_wait3A_375 = arith.constant 0 : i32
        %dma_wait3A_376 = tpu.memref_slice %arg9[%dma_wait3A_374, %dma_wait3A_375] : memref<8x64xi32, #tpu.memory_space<vmem>> -> memref<1x64xi32, #tpu.memory_space<vmem>>
        %dma_wait3A_377 = tpu.memref_squeeze %dma_wait3A_376 : memref<1x64xi32, #tpu.memory_space<vmem>> -> memref<64xi32, #tpu.memory_space<vmem>>
        %dma_wait3A_378 = arith.constant 0 : i32
        %dma_wait3A_379 = tpu.memref_slice %arg3[%dma_wait3A_378] : memref<10112xf32, #tpu.memory_space<hbm>> -> memref<10112xf32, #tpu.memory_space<hbm>>
        tpu.wait_indirect_dma semaphore(%arg28 : memref<!tpu.dma_semaphore, #tpu.memory_space<semaphore_mem>>) src(%dma_wait3A_379 : memref<10112xf32, #tpu.memory_space<hbm>>) dst(%arg19 : memref<64xf32, #tpu.memory_space<vmem>>)
        %dma_wait3A_380 = arith.constant 0 : i32
        %dma_wait3A_381 = arith.constant 0 : i32
        %dma_wait3A_382 = tpu.memref_slice %arg10[%dma_wait3A_380, %dma_wait3A_381] : memref<8x64xi32, #tpu.memory_space<vmem>> -> memref<1x64xi32, #tpu.memory_space<vmem>>
        %dma_wait3A_383 = tpu.memref_squeeze %dma_wait3A_382 : memref<1x64xi32, #tpu.memory_space<vmem>> -> memref<64xi32, #tpu.memory_space<vmem>>
        %dma_wait3A_384 = arith.constant 0 : i32
        %dma_wait3A_385 = tpu.memref_slice %arg4[%dma_wait3A_384] : memref<10112xf32, #tpu.memory_space<hbm>> -> memref<10112xf32, #tpu.memory_space<hbm>>
        tpu.wait_indirect_dma semaphore(%arg28 : memref<!tpu.dma_semaphore, #tpu.memory_space<semaphore_mem>>) src(%dma_wait3A_385 : memref<10112xf32, #tpu.memory_space<hbm>>) dst(%arg23 : memref<64xf32, #tpu.memory_space<vmem>>)
        %get3A_386 = arith.index_cast %add3A_366 : i32 to index
        %get3A_387 = arith.constant 0 : index
        %get3A_388 = tpu.vector_load %arg10[%get3A_386, %get3A_387] {strides = array<i32>} : memref<8x64xi32, #tpu.memory_space<vmem>>, vector<16xi32>,
        %get3A_389 = arith.constant 0 : index
        %get3A_390 = tpu.vector_load %arg19[%get3A_389] {strides = array<i32>} : memref<64xf32, #tpu.memory_space<vmem>>, vector<16xf32>,
        %get3A_391 = arith.constant 0 : index
        %get3A_392 = tpu.vector_load %arg23[%get3A_391] {strides = array<i32>} : memref<64xf32, #tpu.memory_space<vmem>>, vector<16xf32>,
        %add3A_393 = arith.addf %get3A_390, %get3A_392 : vector<16xf32>
        %neg3A_394 = arith.constant 0.000000e+00 : f32
        %neg3A_395 = vector.broadcast %neg3A_394 : f32 to vector<16xf32>
        %neg3A_396 = arith.subf %neg3A_395, %add3A_393 : vector<16xf32>
        %exp3A_397 = math.exp %neg3A_396 : vector<16xf32>
        %add3A_398 = arith.constant 1.000000e+00 : f32
        %add3A_399 = vector.broadcast %add3A_398 : f32 to vector<16xf32>
        %add3A_400 = arith.addf %add3A_399, %exp3A_397 : vector<16xf32>
        %div3A_401 = arith.constant 1.000000e+00 : f32
        %div3A_402 = vector.broadcast %div3A_401 : f32 to vector<16xf32>
        %div3A_403 = arith.divf %div3A_402, %add3A_400 : vector<16xf32>
        %exp3A_404 = math.exp %div3A_403 : vector<16xf32>
        %swap3A_405 = arith.constant 0 : index
        %swap3A_406 = tpu.vector_load %arg11[%swap3A_405] {strides = array<i32>} : memref<64xf32, #tpu.memory_space<vmem>>, vector<16xf32>,
        tpu.vector_store %arg11[%swap3A_405], %exp3A_404 {strides = array<i32>} : memref<64xf32, #tpu.memory_space<vmem>>, vector<16xf32>,
        tpu.vector_store_idx %arg12[%get3A_388], %exp3A_404 {add = true} : memref<10112xf32, #tpu.memory_space<vmem>>[vector<16xi32>], vector<16xf32>,
        %get3A_407 = arith.index_cast %add3A_366 : i32 to index
        %get3A_408 = arith.constant 16 : index
        %get3A_409 = tpu.vector_load %arg10[%get3A_407, %get3A_408] {strides = array<i32>} : memref<8x64xi32, #tpu.memory_space<vmem>>, vector<16xi32>,
        %get3A_410 = arith.constant 16 : index
        %get3A_411 = tpu.vector_load %arg19[%get3A_410] {strides = array<i32>} : memref<64xf32, #tpu.memory_space<vmem>>, vector<16xf32>,
        %get3A_412 = arith.constant 16 : index
        %get3A_413 = tpu.vector_load %arg23[%get3A_412] {strides = array<i32>} : memref<64xf32, #tpu.memory_space<vmem>>, vector<16xf32>,
        %add3A_414 = arith.addf %get3A_411, %get3A_413 : vector<16xf32>
        %neg3A_415 = arith.constant 0.000000e+00 : f32
        %neg3A_416 = vector.broadcast %neg3A_415 : f32 to vector<16xf32>
        %neg3A_417 = arith.subf %neg3A_416, %add3A_414 : vector<16xf32>
        %exp3A_418 = math.exp %neg3A_417 : vector<16xf32>
        %add3A_419 = arith.constant 1.000000e+00 : f32
        %add3A_420 = vector.broadcast %add3A_419 : f32 to vector<16xf32>
        %add3A_421 = arith.addf %add3A_420, %exp3A_418 : vector<16xf32>
        %div3A_422 = arith.constant 1.000000e+00 : f32
        %div3A_423 = vector.broadcast %div3A_422 : f32 to vector<16xf32>
        %div3A_424 = arith.divf %div3A_423, %add3A_421 : vector<16xf32>
        %exp3A_425 = math.exp %div3A_424 : vector<16xf32>
        %swap3A_426 = arith.constant 16 : index
        %swap3A_427 = tpu.vector_load %arg11[%swap3A_426] {strides = array<i32>} : memref<64xf32, #tpu.memory_space<vmem>>, vector<16xf32>,
        tpu.vector_store %arg11[%swap3A_426], %exp3A_425 {strides = array<i32>} : memref<64xf32, #tpu.memory_space<vmem>>, vector<16xf32>,
        tpu.vector_store_idx %arg12[%get3A_409], %exp3A_425 {add = true} : memref<10112xf32, #tpu.memory_space<vmem>>[vector<16xi32>], vector<16xf32>,
        %get3A_428 = arith.index_cast %add3A_366 : i32 to index
        %get3A_429 = arith.constant 32 : index
        %get3A_430 = tpu.vector_load %arg10[%get3A_428, %get3A_429] {strides = array<i32>} : memref<8x64xi32, #tpu.memory_space<vmem>>, vector<16xi32>,
        %get3A_431 = arith.constant 32 : index
        %get3A_432 = tpu.vector_load %arg19[%get3A_431] {strides = array<i32>} : memref<64xf32, #tpu.memory_space<vmem>>, vector<16xf32>,
        %get3A_433 = arith.constant 32 : index
        %get3A_434 = tpu.vector_load %arg23[%get3A_433] {strides = array<i32>} : memref<64xf32, #tpu.memory_space<vmem>>, vector<16xf32>,
        %add3A_435 = arith.addf %get3A_432, %get3A_434 : vector<16xf32>
        %neg3A_436 = arith.constant 0.000000e+00 : f32
        %neg3A_437 = vector.broadcast %neg3A_436 : f32 to vector<16xf32>
        %neg3A_438 = arith.subf %neg3A_437, %add3A_435 : vector<16xf32>
        %exp3A_439 = math.exp %neg3A_438 : vector<16xf32>
        %add3A_440 = arith.constant 1.000000e+00 : f32
        %add3A_441 = vector.broadcast %add3A_440 : f32 to vector<16xf32>
        %add3A_442 = arith.addf %add3A_441, %exp3A_439 : vector<16xf32>
        %div3A_443 = arith.constant 1.000000e+00 : f32
        %div3A_444 = vector.broadcast %div3A_443 : f32 to vector<16xf32>
        %div3A_445 = arith.divf %div3A_444, %add3A_442 : vector<16xf32>
        %exp3A_446 = math.exp %div3A_445 : vector<16xf32>
        %swap3A_447 = arith.constant 32 : index
        %swap3A_448 = tpu.vector_load %arg11[%swap3A_447] {strides = array<i32>} : memref<64xf32, #tpu.memory_space<vmem>>, vector<16xf32>,
        tpu.vector_store %arg11[%swap3A_447], %exp3A_446 {strides = array<i32>} : memref<64xf32, #tpu.memory_space<vmem>>, vector<16xf32>,
        tpu.vector_store_idx %arg12[%get3A_430], %exp3A_446 {add = true} : memref<10112xf32, #tpu.memory_space<vmem>>[vector<16xi32>], vector<16xf32>,
        %get3A_449 = arith.index_cast %add3A_366 : i32 to index
        %get3A_450 = arith.constant 48 : index
        %get3A_451 = tpu.vector_load %arg10[%get3A_449, %get3A_450] {strides = array<i32>} : memref<8x64xi32, #tpu.memory_space<vmem>>, vector<16xi32>,
        %get3A_452 = arith.constant 48 : index
        %get3A_453 = tpu.vector_load %arg19[%get3A_452] {strides = array<i32>} : memref<64xf32, #tpu.memory_space<vmem>>, vector<16xf32>,
        %get3A_454 = arith.constant 48 : index
        %get3A_455 = tpu.vector_load %arg23[%get3A_454] {strides = array<i32>} : memref<64xf32, #tpu.memory_space<vmem>>, vector<16xf32>,
        %add3A_456 = arith.addf %get3A_453, %get3A_455 : vector<16xf32>
        %neg3A_457 = arith.constant 0.000000e+00 : f32
        %neg3A_458 = vector.broadcast %neg3A_457 : f32 to vector<16xf32>
        %neg3A_459 = arith.subf %neg3A_458, %add3A_456 : vector<16xf32>
        %exp3A_460 = math.exp %neg3A_459 : vector<16xf32>
        %add3A_461 = arith.constant 1.000000e+00 : f32
        %add3A_462 = vector.broadcast %add3A_461 : f32 to vector<16xf32>
        %add3A_463 = arith.addf %add3A_462, %exp3A_460 : vector<16xf32>
        %div3A_464 = arith.constant 1.000000e+00 : f32
        %div3A_465 = vector.broadcast %div3A_464 : f32 to vector<16xf32>
        %div3A_466 = arith.divf %div3A_465, %add3A_463 : vector<16xf32>
        %exp3A_467 = math.exp %div3A_466 : vector<16xf32>
        %swap3A_468 = arith.constant 48 : index
        %swap3A_469 = tpu.vector_load %arg11[%swap3A_468] {strides = array<i32>} : memref<64xf32, #tpu.memory_space<vmem>>, vector<16xf32>,
        tpu.vector_store %arg11[%swap3A_468], %exp3A_467 {strides = array<i32>} : memref<64xf32, #tpu.memory_space<vmem>>, vector<16xf32>,
        tpu.vector_store_idx %arg12[%get3A_451], %exp3A_467 {add = true} : memref<10112xf32, #tpu.memory_space<vmem>>[vector<16xi32>], vector<16xf32>,
        %scan3A_470 = arith.constant 0 : i32
        %scan3A_471 = arith.constant 0 : i32
        %scan3A_472 = arith.constant 64 : i32
        %scan3A_473 = arith.addi %scan3A_471, %scan3A_472 : i32
        %scan3A_474 = arith.constant 1 : i32
        scf.for %scan3A_603 = %scan3A_471 to %scan3A_473 step %scan3A_474  : i32 {
          %broadcast_in_dim3A_604 = vector.broadcast %scan3A_603 : i32 to vector<16xi32>
          %gather3A = tpu.vector_load_idx %arg11[%broadcast_in_dim3A_604] : memref<64xf32, #tpu.memory_space<vmem>>[vector<16xi32>], vector<16xf32>,
          %get3A_605 = arith.index_cast %scan3A_603 : i32 to index
          %get3A_606 = arith.constant 0 : index
          %get3A_607 = tpu.vector_load %arg15[%get3A_605, %get3A_606] {strides = array<i32>} : memref<64x128xf32, #tpu.memory_space<vmem>>, vector<16xf32>,
          %mul3A_608 = arith.mulf %get3A_607, %gather3A : vector<16xf32>
          %swap3A_609 = arith.index_cast %scan3A_603 : i32 to index
          %swap3A_610 = arith.constant 0 : index
          %swap3A_611 = tpu.vector_load %arg15[%swap3A_609, %swap3A_610] {strides = array<i32>} : memref<64x128xf32, #tpu.memory_space<vmem>>, vector<16xf32>,
          tpu.vector_store %arg15[%swap3A_609, %swap3A_610], %mul3A_608 {strides = array<i32>} : memref<64x128xf32, #tpu.memory_space<vmem>>, vector<16xf32>,
          %get3A_612 = arith.index_cast %scan3A_603 : i32 to index
          %get3A_613 = arith.constant 16 : index
          %get3A_614 = tpu.vector_load %arg15[%get3A_612, %get3A_613] {strides = array<i32>} : memref<64x128xf32, #tpu.memory_space<vmem>>, vector<16xf32>,
          %mul3A_615 = arith.mulf %get3A_614, %gather3A : vector<16xf32>
          %swap3A_616 = arith.index_cast %scan3A_603 : i32 to index
          %swap3A_617 = arith.constant 16 : index
          %swap3A_618 = tpu.vector_load %arg15[%swap3A_616, %swap3A_617] {strides = array<i32>} : memref<64x128xf32, #tpu.memory_space<vmem>>, vector<16xf32>,
          tpu.vector_store %arg15[%swap3A_616, %swap3A_617], %mul3A_615 {strides = array<i32>} : memref<64x128xf32, #tpu.memory_space<vmem>>, vector<16xf32>,
          %get3A_619 = arith.index_cast %scan3A_603 : i32 to index
          %get3A_620 = arith.constant 32 : index
          %get3A_621 = tpu.vector_load %arg15[%get3A_619, %get3A_620] {strides = array<i32>} : memref<64x128xf32, #tpu.memory_space<vmem>>, vector<16xf32>,
          %mul3A_622 = arith.mulf %get3A_621, %gather3A : vector<16xf32>
          %swap3A_623 = arith.index_cast %scan3A_603 : i32 to index
          %swap3A_624 = arith.constant 32 : index
          %swap3A_625 = tpu.vector_load %arg15[%swap3A_623, %swap3A_624] {strides = array<i32>} : memref<64x128xf32, #tpu.memory_space<vmem>>, vector<16xf32>,
          tpu.vector_store %arg15[%swap3A_623, %swap3A_624], %mul3A_622 {strides = array<i32>} : memref<64x128xf32, #tpu.memory_space<vmem>>, vector<16xf32>,
          %get3A_626 = arith.index_cast %scan3A_603 : i32 to index
          %get3A_627 = arith.constant 48 : index
          %get3A_628 = tpu.vector_load %arg15[%get3A_626, %get3A_627] {strides = array<i32>} : memref<64x128xf32, #tpu.memory_space<vmem>>, vector<16xf32>,
          %mul3A_629 = arith.mulf %get3A_628, %gather3A : vector<16xf32>
          %swap3A_630 = arith.index_cast %scan3A_603 : i32 to index
          %swap3A_631 = arith.constant 48 : index
          %swap3A_632 = tpu.vector_load %arg15[%swap3A_630, %swap3A_631] {strides = array<i32>} : memref<64x128xf32, #tpu.memory_space<vmem>>, vector<16xf32>,
          tpu.vector_store %arg15[%swap3A_630, %swap3A_631], %mul3A_629 {strides = array<i32>} : memref<64x128xf32, #tpu.memory_space<vmem>>, vector<16xf32>,
          %get3A_633 = arith.index_cast %scan3A_603 : i32 to index
          %get3A_634 = arith.constant 64 : index
          %get3A_635 = tpu.vector_load %arg15[%get3A_633, %get3A_634] {strides = array<i32>} : memref<64x128xf32, #tpu.memory_space<vmem>>, vector<16xf32>,
          %mul3A_636 = arith.mulf %get3A_635, %gather3A : vector<16xf32>
          %swap3A_637 = arith.index_cast %scan3A_603 : i32 to index
          %swap3A_638 = arith.constant 64 : index
          %swap3A_639 = tpu.vector_load %arg15[%swap3A_637, %swap3A_638] {strides = array<i32>} : memref<64x128xf32, #tpu.memory_space<vmem>>, vector<16xf32>,
          tpu.vector_store %arg15[%swap3A_637, %swap3A_638], %mul3A_636 {strides = array<i32>} : memref<64x128xf32, #tpu.memory_space<vmem>>, vector<16xf32>,
          %get3A_640 = arith.index_cast %scan3A_603 : i32 to index
          %get3A_641 = arith.constant 80 : index
          %get3A_642 = tpu.vector_load %arg15[%get3A_640, %get3A_641] {strides = array<i32>} : memref<64x128xf32, #tpu.memory_space<vmem>>, vector<16xf32>,
          %mul3A_643 = arith.mulf %get3A_642, %gather3A : vector<16xf32>
          %swap3A_644 = arith.index_cast %scan3A_603 : i32 to index
          %swap3A_645 = arith.constant 80 : index
          %swap3A_646 = tpu.vector_load %arg15[%swap3A_644, %swap3A_645] {strides = array<i32>} : memref<64x128xf32, #tpu.memory_space<vmem>>, vector<16xf32>,
          tpu.vector_store %arg15[%swap3A_644, %swap3A_645], %mul3A_643 {strides = array<i32>} : memref<64x128xf32, #tpu.memory_space<vmem>>, vector<16xf32>,
          %get3A_647 = arith.index_cast %scan3A_603 : i32 to index
          %get3A_648 = arith.constant 96 : index
          %get3A_649 = tpu.vector_load %arg15[%get3A_647, %get3A_648] {strides = array<i32>} : memref<64x128xf32, #tpu.memory_space<vmem>>, vector<16xf32>,
          %mul3A_650 = arith.mulf %get3A_649, %gather3A : vector<16xf32>
          %swap3A_651 = arith.index_cast %scan3A_603 : i32 to index
          %swap3A_652 = arith.constant 96 : index
          %swap3A_653 = tpu.vector_load %arg15[%swap3A_651, %swap3A_652] {strides = array<i32>} : memref<64x128xf32, #tpu.memory_space<vmem>>, vector<16xf32>,
          tpu.vector_store %arg15[%swap3A_651, %swap3A_652], %mul3A_650 {strides = array<i32>} : memref<64x128xf32, #tpu.memory_space<vmem>>, vector<16xf32>,
          %get3A_654 = arith.index_cast %scan3A_603 : i32 to index
          %get3A_655 = arith.constant 112 : index
          %get3A_656 = tpu.vector_load %arg15[%get3A_654, %get3A_655] {strides = array<i32>} : memref<64x128xf32, #tpu.memory_space<vmem>>, vector<16xf32>,
          %mul3A_657 = arith.mulf %get3A_656, %gather3A : vector<16xf32>
          %swap3A_658 = arith.index_cast %scan3A_603 : i32 to index
          %swap3A_659 = arith.constant 112 : index
          %swap3A_660 = tpu.vector_load %arg15[%swap3A_658, %swap3A_659] {strides = array<i32>} : memref<64x128xf32, #tpu.memory_space<vmem>>, vector<16xf32>,
          tpu.vector_store %arg15[%swap3A_658, %swap3A_659], %mul3A_657 {strides = array<i32>} : memref<64x128xf32, #tpu.memory_space<vmem>>, vector<16xf32>,
        }
        %scan3A_475 = arith.constant 64 : i32
        "tpu.region"() ({
          %run_scoped3A = tpu.sem_alloc : memref<!tpu.dma_semaphore, #tpu.memory_space<semaphore_mem>>
          %dma_start3A_603 = arith.constant 0 : i32
          %dma_start3A_604 = tpu.memref_slice %arg10[%add3A_366, %dma_start3A_603] : memref<8x64xi32, #tpu.memory_space<vmem>> -> memref<1x64xi32, #tpu.memory_space<vmem>>
          %dma_start3A_605 = tpu.memref_squeeze %dma_start3A_604 : memref<1x64xi32, #tpu.memory_space<vmem>> -> memref<64xi32, #tpu.memory_space<vmem>>
          %dma_start3A_606 = arith.constant 0 : i32
          %dma_start3A_607 = arith.constant 0 : i32
          %dma_start3A_608 = tpu.memref_slice %arg25[%dma_start3A_606, %dma_start3A_607] : memref<10112x128xf32, #tpu.memory_space<vmem_shared>> -> memref<10112x128xf32, #tpu.memory_space<vmem_shared>>
          tpu.enqueue_indirect_dma source(%arg15 : memref<64x128xf32, #tpu.memory_space<vmem>>) target(%dma_start3A_608 : memref<10112x128xf32, #tpu.memory_space<vmem_shared>>) offsets(%dma_start3A_605 : memref<64xi32, #tpu.memory_space<vmem>>) semaphore(%run_scoped3A : memref<!tpu.dma_semaphore, #tpu.memory_space<semaphore_mem>>) {add = true}
          %dma_wait3A_609 = arith.constant 0 : i32
          %dma_wait3A_610 = tpu.memref_slice %arg10[%add3A_366, %dma_wait3A_609] : memref<8x64xi32, #tpu.memory_space<vmem>> -> memref<1x64xi32, #tpu.memory_space<vmem>>
          %dma_wait3A_611 = tpu.memref_squeeze %dma_wait3A_610 : memref<1x64xi32, #tpu.memory_space<vmem>> -> memref<64xi32, #tpu.memory_space<vmem>>
          %dma_wait3A_612 = arith.constant 0 : i32
          %dma_wait3A_613 = arith.constant 0 : i32
          %dma_wait3A_614 = tpu.memref_slice %arg25[%dma_wait3A_612, %dma_wait3A_613] : memref<10112x128xf32, #tpu.memory_space<vmem_shared>> -> memref<10112x128xf32, #tpu.memory_space<vmem_shared>>
          tpu.wait_indirect_dma semaphore(%run_scoped3A : memref<!tpu.dma_semaphore, #tpu.memory_space<semaphore_mem>>) src(%arg15 : memref<64x128xf32, #tpu.memory_space<vmem>>) dst(%dma_wait3A_614 : memref<10112x128xf32, #tpu.memory_space<vmem_shared>>)
          tpu.yield
        }) : () -> ()
        %add3A_476 = arith.constant 4 : i32
        %add3A_477 = arith.addi %add3A_366, %add3A_476 : i32
        %lt3A_478 = arith.constant 8 : i32
        %lt3A_479 = arith.cmpi slt, %add3A_477, %lt3A_478 : i32
        %convert_element_type3A_480 = arith.extui %lt3A_479 : i1 to i32
        %cond3A_481 = arith.constant 0 : i32
        %cond3A_482 = arith.cmpi ne, %convert_element_type3A_480, %cond3A_481 : i32
        scf.if %cond3A_482 {
          %add3A_603 = arith.constant 4 : i32
          %add3A_604 = arith.addi %add3A_366, %add3A_603 : i32
          %dma_start3A_605 = arith.constant 0 : i32
          %dma_start3A_606 = tpu.memref_slice %arg9[%add3A_604, %dma_start3A_605] : memref<8x64xi32, #tpu.memory_space<vmem>> -> memref<1x64xi32, #tpu.memory_space<vmem>>
          %dma_start3A_607 = tpu.memref_squeeze %dma_start3A_606 : memref<1x64xi32, #tpu.memory_space<vmem>> -> memref<64xi32, #tpu.memory_space<vmem>>
          %dma_start3A_608 = arith.constant 0 : i32
          %dma_start3A_609 = arith.constant 0 : i32
          %dma_start3A_610 = tpu.memref_slice %arg2[%dma_start3A_608, %dma_start3A_609] : memref<10000x128xf32, #tpu.memory_space<hbm>> -> memref<10000x128xf32, #tpu.memory_space<hbm>>
          tpu.enqueue_indirect_dma source(%dma_start3A_610 : memref<10000x128xf32, #tpu.memory_space<hbm>>) target(%arg15 : memref<64x128xf32, #tpu.memory_space<vmem>>) offsets(%dma_start3A_607 : memref<64xi32, #tpu.memory_space<vmem>>) semaphore(%arg28 : memref<!tpu.dma_semaphore, #tpu.memory_space<semaphore_mem>>)
          %dma_start3A_611 = arith.constant 0 : i32
          %dma_start3A_612 = tpu.memref_slice %arg9[%add3A_604, %dma_start3A_611] : memref<8x64xi32, #tpu.memory_space<vmem>> -> memref<1x64xi32, #tpu.memory_space<vmem>>
          %dma_start3A_613 = tpu.memref_squeeze %dma_start3A_612 : memref<1x64xi32, #tpu.memory_space<vmem>> -> memref<64xi32, #tpu.memory_space<vmem>>
          %dma_start3A_614 = arith.constant 0 : i32
          %dma_start3A_615 = tpu.memref_slice %arg3[%dma_start3A_614] : memref<10112xf32, #tpu.memory_space<hbm>> -> memref<10112xf32, #tpu.memory_space<hbm>>
          tpu.enqueue_indirect_dma source(%dma_start3A_615 : memref<10112xf32, #tpu.memory_space<hbm>>) target(%arg19 : memref<64xf32, #tpu.memory_space<vmem>>) offsets(%dma_start3A_613 : memref<64xi32, #tpu.memory_space<vmem>>) semaphore(%arg28 : memref<!tpu.dma_semaphore, #tpu.memory_space<semaphore_mem>>)
          %dma_start3A_616 = arith.constant 0 : i32
          %dma_start3A_617 = tpu.memref_slice %arg10[%add3A_604, %dma_start3A_616] : memref<8x64xi32, #tpu.memory_space<vmem>> -> memref<1x64xi32, #tpu.memory_space<vmem>>
          %dma_start3A_618 = tpu.memref_squeeze %dma_start3A_617 : memref<1x64xi32, #tpu.memory_space<vmem>> -> memref<64xi32, #tpu.memory_space<vmem>>
          %dma_start3A_619 = arith.constant 0 : i32
          %dma_start3A_620 = tpu.memref_slice %arg4[%dma_start3A_619] : memref<10112xf32, #tpu.memory_space<hbm>> -> memref<10112xf32, #tpu.memory_space<hbm>>
          tpu.enqueue_indirect_dma source(%dma_start3A_620 : memref<10112xf32, #tpu.memory_space<hbm>>) target(%arg23 : memref<64xf32, #tpu.memory_space<vmem>>) offsets(%dma_start3A_618 : memref<64xi32, #tpu.memory_space<vmem>>) semaphore(%arg28 : memref<!tpu.dma_semaphore, #tpu.memory_space<semaphore_mem>>)
        } else {
        }
        %mul3A_483 = arith.constant 4 : i32
        %mul3A_484 = arith.muli %scan3A_131, %mul3A_483 : i32
        %add3A_485 = arith.constant 3 : i32
        %add3A_486 = arith.addi %mul3A_484, %add3A_485 : i32
        %dma_wait3A_487 = arith.constant 0 : i32
        %dma_wait3A_488 = arith.constant 0 : i32
        %dma_wait3A_489 = tpu.memref_slice %arg9[%dma_wait3A_487, %dma_wait3A_488] : memref<8x64xi32, #tpu.memory_space<vmem>> -> memref<1x64xi32, #tpu.memory_space<vmem>>
        %dma_wait3A_490 = tpu.memref_squeeze %dma_wait3A_489 : memref<1x64xi32, #tpu.memory_space<vmem>> -> memref<64xi32, #tpu.memory_space<vmem>>
        %dma_wait3A_491 = arith.constant 0 : i32
        %dma_wait3A_492 = arith.constant 0 : i32
        %dma_wait3A_493 = tpu.memref_slice %arg2[%dma_wait3A_491, %dma_wait3A_492] : memref<10000x128xf32, #tpu.memory_space<hbm>> -> memref<10000x128xf32, #tpu.memory_space<hbm>>
        tpu.wait_indirect_dma semaphore(%arg29 : memref<!tpu.dma_semaphore, #tpu.memory_space<semaphore_mem>>) src(%dma_wait3A_493 : memref<10000x128xf32, #tpu.memory_space<hbm>>) dst(%arg16 : memref<64x128xf32, #tpu.memory_space<vmem>>)
        %dma_wait3A_494 = arith.constant 0 : i32
        %dma_wait3A_495 = arith.constant 0 : i32
        %dma_wait3A_496 = tpu.memref_slice %arg9[%dma_wait3A_494, %dma_wait3A_495] : memref<8x64xi32, #tpu.memory_space<vmem>> -> memref<1x64xi32, #tpu.memory_space<vmem>>
        %dma_wait3A_497 = tpu.memref_squeeze %dma_wait3A_496 : memref<1x64xi32, #tpu.memory_space<vmem>> -> memref<64xi32, #tpu.memory_space<vmem>>
        %dma_wait3A_498 = arith.constant 0 : i32
        %dma_wait3A_499 = tpu.memref_slice %arg3[%dma_wait3A_498] : memref<10112xf32, #tpu.memory_space<hbm>> -> memref<10112xf32, #tpu.memory_space<hbm>>
        tpu.wait_indirect_dma semaphore(%arg29 : memref<!tpu.dma_semaphore, #tpu.memory_space<semaphore_mem>>) src(%dma_wait3A_499 : memref<10112xf32, #tpu.memory_space<hbm>>) dst(%arg20 : memref<64xf32, #tpu.memory_space<vmem>>)
        %dma_wait3A_500 = arith.constant 0 : i32
        %dma_wait3A_501 = arith.constant 0 : i32
        %dma_wait3A_502 = tpu.memref_slice %arg10[%dma_wait3A_500, %dma_wait3A_501] : memref<8x64xi32, #tpu.memory_space<vmem>> -> memref<1x64xi32, #tpu.memory_space<vmem>>
        %dma_wait3A_503 = tpu.memref_squeeze %dma_wait3A_502 : memref<1x64xi32, #tpu.memory_space<vmem>> -> memref<64xi32, #tpu.memory_space<vmem>>
        %dma_wait3A_504 = arith.constant 0 : i32
        %dma_wait3A_505 = tpu.memref_slice %arg4[%dma_wait3A_504] : memref<10112xf32, #tpu.memory_space<hbm>> -> memref<10112xf32, #tpu.memory_space<hbm>>
        tpu.wait_indirect_dma semaphore(%arg29 : memref<!tpu.dma_semaphore, #tpu.memory_space<semaphore_mem>>) src(%dma_wait3A_505 : memref<10112xf32, #tpu.memory_space<hbm>>) dst(%arg24 : memref<64xf32, #tpu.memory_space<vmem>>)
        %get3A_506 = arith.index_cast %add3A_486 : i32 to index
        %get3A_507 = arith.constant 0 : index
        %get3A_508 = tpu.vector_load %arg10[%get3A_506, %get3A_507] {strides = array<i32>} : memref<8x64xi32, #tpu.memory_space<vmem>>, vector<16xi32>,
        %get3A_509 = arith.constant 0 : index
        %get3A_510 = tpu.vector_load %arg20[%get3A_509] {strides = array<i32>} : memref<64xf32, #tpu.memory_space<vmem>>, vector<16xf32>,
        %get3A_511 = arith.constant 0 : index
        %get3A_512 = tpu.vector_load %arg24[%get3A_511] {strides = array<i32>} : memref<64xf32, #tpu.memory_space<vmem>>, vector<16xf32>,
        %add3A_513 = arith.addf %get3A_510, %get3A_512 : vector<16xf32>
        %neg3A_514 = arith.constant 0.000000e+00 : f32
        %neg3A_515 = vector.broadcast %neg3A_514 : f32 to vector<16xf32>
        %neg3A_516 = arith.subf %neg3A_515, %add3A_513 : vector<16xf32>
        %exp3A_517 = math.exp %neg3A_516 : vector<16xf32>
        %add3A_518 = arith.constant 1.000000e+00 : f32
        %add3A_519 = vector.broadcast %add3A_518 : f32 to vector<16xf32>
        %add3A_520 = arith.addf %add3A_519, %exp3A_517 : vector<16xf32>
        %div3A_521 = arith.constant 1.000000e+00 : f32
        %div3A_522 = vector.broadcast %div3A_521 : f32 to vector<16xf32>
        %div3A_523 = arith.divf %div3A_522, %add3A_520 : vector<16xf32>
        %exp3A_524 = math.exp %div3A_523 : vector<16xf32>
        %swap3A_525 = arith.constant 0 : index
        %swap3A_526 = tpu.vector_load %arg11[%swap3A_525] {strides = array<i32>} : memref<64xf32, #tpu.memory_space<vmem>>, vector<16xf32>,
        tpu.vector_store %arg11[%swap3A_525], %exp3A_524 {strides = array<i32>} : memref<64xf32, #tpu.memory_space<vmem>>, vector<16xf32>,
        tpu.vector_store_idx %arg12[%get3A_508], %exp3A_524 {add = true} : memref<10112xf32, #tpu.memory_space<vmem>>[vector<16xi32>], vector<16xf32>,
        %get3A_527 = arith.index_cast %add3A_486 : i32 to index
        %get3A_528 = arith.constant 16 : index
        %get3A_529 = tpu.vector_load %arg10[%get3A_527, %get3A_528] {strides = array<i32>} : memref<8x64xi32, #tpu.memory_space<vmem>>, vector<16xi32>,
        %get3A_530 = arith.constant 16 : index
        %get3A_531 = tpu.vector_load %arg20[%get3A_530] {strides = array<i32>} : memref<64xf32, #tpu.memory_space<vmem>>, vector<16xf32>,
        %get3A_532 = arith.constant 16 : index
        %get3A_533 = tpu.vector_load %arg24[%get3A_532] {strides = array<i32>} : memref<64xf32, #tpu.memory_space<vmem>>, vector<16xf32>,
        %add3A_534 = arith.addf %get3A_531, %get3A_533 : vector<16xf32>
        %neg3A_535 = arith.constant 0.000000e+00 : f32
        %neg3A_536 = vector.broadcast %neg3A_535 : f32 to vector<16xf32>
        %neg3A_537 = arith.subf %neg3A_536, %add3A_534 : vector<16xf32>
        %exp3A_538 = math.exp %neg3A_537 : vector<16xf32>
        %add3A_539 = arith.constant 1.000000e+00 : f32
        %add3A_540 = vector.broadcast %add3A_539 : f32 to vector<16xf32>
        %add3A_541 = arith.addf %add3A_540, %exp3A_538 : vector<16xf32>
        %div3A_542 = arith.constant 1.000000e+00 : f32
        %div3A_543 = vector.broadcast %div3A_542 : f32 to vector<16xf32>
        %div3A_544 = arith.divf %div3A_543, %add3A_541 : vector<16xf32>
        %exp3A_545 = math.exp %div3A_544 : vector<16xf32>
        %swap3A_546 = arith.constant 16 : index
        %swap3A_547 = tpu.vector_load %arg11[%swap3A_546] {strides = array<i32>} : memref<64xf32, #tpu.memory_space<vmem>>, vector<16xf32>,
        tpu.vector_store %arg11[%swap3A_546], %exp3A_545 {strides = array<i32>} : memref<64xf32, #tpu.memory_space<vmem>>, vector<16xf32>,
        tpu.vector_store_idx %arg12[%get3A_529], %exp3A_545 {add = true} : memref<10112xf32, #tpu.memory_space<vmem>>[vector<16xi32>], vector<16xf32>,
        %get3A_548 = arith.index_cast %add3A_486 : i32 to index
        %get3A_549 = arith.constant 32 : index
        %get3A_550 = tpu.vector_load %arg10[%get3A_548, %get3A_549] {strides = array<i32>} : memref<8x64xi32, #tpu.memory_space<vmem>>, vector<16xi32>,
        %get3A_551 = arith.constant 32 : index
        %get3A_552 = tpu.vector_load %arg20[%get3A_551] {strides = array<i32>} : memref<64xf32, #tpu.memory_space<vmem>>, vector<16xf32>,
        %get3A_553 = arith.constant 32 : index
        %get3A_554 = tpu.vector_load %arg24[%get3A_553] {strides = array<i32>} : memref<64xf32, #tpu.memory_space<vmem>>, vector<16xf32>,
        %add3A_555 = arith.addf %get3A_552, %get3A_554 : vector<16xf32>
        %neg3A_556 = arith.constant 0.000000e+00 : f32
        %neg3A_557 = vector.broadcast %neg3A_556 : f32 to vector<16xf32>
        %neg3A_558 = arith.subf %neg3A_557, %add3A_555 : vector<16xf32>
        %exp3A_559 = math.exp %neg3A_558 : vector<16xf32>
        %add3A_560 = arith.constant 1.000000e+00 : f32
        %add3A_561 = vector.broadcast %add3A_560 : f32 to vector<16xf32>
        %add3A_562 = arith.addf %add3A_561, %exp3A_559 : vector<16xf32>
        %div3A_563 = arith.constant 1.000000e+00 : f32
        %div3A_564 = vector.broadcast %div3A_563 : f32 to vector<16xf32>
        %div3A_565 = arith.divf %div3A_564, %add3A_562 : vector<16xf32>
        %exp3A_566 = math.exp %div3A_565 : vector<16xf32>
        %swap3A_567 = arith.constant 32 : index
        %swap3A_568 = tpu.vector_load %arg11[%swap3A_567] {strides = array<i32>} : memref<64xf32, #tpu.memory_space<vmem>>, vector<16xf32>,
        tpu.vector_store %arg11[%swap3A_567], %exp3A_566 {strides = array<i32>} : memref<64xf32, #tpu.memory_space<vmem>>, vector<16xf32>,
        tpu.vector_store_idx %arg12[%get3A_550], %exp3A_566 {add = true} : memref<10112xf32, #tpu.memory_space<vmem>>[vector<16xi32>], vector<16xf32>,
        %get3A_569 = arith.index_cast %add3A_486 : i32 to index
        %get3A_570 = arith.constant 48 : index
        %get3A_571 = tpu.vector_load %arg10[%get3A_569, %get3A_570] {strides = array<i32>} : memref<8x64xi32, #tpu.memory_space<vmem>>, vector<16xi32>,
        %get3A_572 = arith.constant 48 : index
        %get3A_573 = tpu.vector_load %arg20[%get3A_572] {strides = array<i32>} : memref<64xf32, #tpu.memory_space<vmem>>, vector<16xf32>,
        %get3A_574 = arith.constant 48 : index
        %get3A_575 = tpu.vector_load %arg24[%get3A_574] {strides = array<i32>} : memref<64xf32, #tpu.memory_space<vmem>>, vector<16xf32>,
        %add3A_576 = arith.addf %get3A_573, %get3A_575 : vector<16xf32>
        %neg3A_577 = arith.constant 0.000000e+00 : f32
        %neg3A_578 = vector.broadcast %neg3A_577 : f32 to vector<16xf32>
        %neg3A_579 = arith.subf %neg3A_578, %add3A_576 : vector<16xf32>
        %exp3A_580 = math.exp %neg3A_579 : vector<16xf32>
        %add3A_581 = arith.constant 1.000000e+00 : f32
        %add3A_582 = vector.broadcast %add3A_581 : f32 to vector<16xf32>
        %add3A_583 = arith.addf %add3A_582, %exp3A_580 : vector<16xf32>
        %div3A_584 = arith.constant 1.000000e+00 : f32
        %div3A_585 = vector.broadcast %div3A_584 : f32 to vector<16xf32>
        %div3A_586 = arith.divf %div3A_585, %add3A_583 : vector<16xf32>
        %exp3A_587 = math.exp %div3A_586 : vector<16xf32>
        %swap3A_588 = arith.constant 48 : index
        %swap3A_589 = tpu.vector_load %arg11[%swap3A_588] {strides = array<i32>} : memref<64xf32, #tpu.memory_space<vmem>>, vector<16xf32>,
        tpu.vector_store %arg11[%swap3A_588], %exp3A_587 {strides = array<i32>} : memref<64xf32, #tpu.memory_space<vmem>>, vector<16xf32>,
        tpu.vector_store_idx %arg12[%get3A_571], %exp3A_587 {add = true} : memref<10112xf32, #tpu.memory_space<vmem>>[vector<16xi32>], vector<16xf32>,
        %scan3A_590 = arith.constant 0 : i32
        %scan3A_591 = arith.constant 0 : i32
        %scan3A_592 = arith.constant 64 : i32
        %scan3A_593 = arith.addi %scan3A_591, %scan3A_592 : i32
        %scan3A_594 = arith.constant 1 : i32
        scf.for %scan3A_603 = %scan3A_591 to %scan3A_593 step %scan3A_594  : i32 {
          %broadcast_in_dim3A_604 = vector.broadcast %scan3A_603 : i32 to vector<16xi32>
          %gather3A = tpu.vector_load_idx %arg11[%broadcast_in_dim3A_604] : memref<64xf32, #tpu.memory_space<vmem>>[vector<16xi32>], vector<16xf32>,
          %get3A_605 = arith.index_cast %scan3A_603 : i32 to index
          %get3A_606 = arith.constant 0 : index
          %get3A_607 = tpu.vector_load %arg16[%get3A_605, %get3A_606] {strides = array<i32>} : memref<64x128xf32, #tpu.memory_space<vmem>>, vector<16xf32>,
          %mul3A_608 = arith.mulf %get3A_607, %gather3A : vector<16xf32>
          %swap3A_609 = arith.index_cast %scan3A_603 : i32 to index
          %swap3A_610 = arith.constant 0 : index
          %swap3A_611 = tpu.vector_load %arg16[%swap3A_609, %swap3A_610] {strides = array<i32>} : memref<64x128xf32, #tpu.memory_space<vmem>>, vector<16xf32>,
          tpu.vector_store %arg16[%swap3A_609, %swap3A_610], %mul3A_608 {strides = array<i32>} : memref<64x128xf32, #tpu.memory_space<vmem>>, vector<16xf32>,
          %get3A_612 = arith.index_cast %scan3A_603 : i32 to index
          %get3A_613 = arith.constant 16 : index
          %get3A_614 = tpu.vector_load %arg16[%get3A_612, %get3A_613] {strides = array<i32>} : memref<64x128xf32, #tpu.memory_space<vmem>>, vector<16xf32>,
          %mul3A_615 = arith.mulf %get3A_614, %gather3A : vector<16xf32>
          %swap3A_616 = arith.index_cast %scan3A_603 : i32 to index
          %swap3A_617 = arith.constant 16 : index
          %swap3A_618 = tpu.vector_load %arg16[%swap3A_616, %swap3A_617] {strides = array<i32>} : memref<64x128xf32, #tpu.memory_space<vmem>>, vector<16xf32>,
          tpu.vector_store %arg16[%swap3A_616, %swap3A_617], %mul3A_615 {strides = array<i32>} : memref<64x128xf32, #tpu.memory_space<vmem>>, vector<16xf32>,
          %get3A_619 = arith.index_cast %scan3A_603 : i32 to index
          %get3A_620 = arith.constant 32 : index
          %get3A_621 = tpu.vector_load %arg16[%get3A_619, %get3A_620] {strides = array<i32>} : memref<64x128xf32, #tpu.memory_space<vmem>>, vector<16xf32>,
          %mul3A_622 = arith.mulf %get3A_621, %gather3A : vector<16xf32>
          %swap3A_623 = arith.index_cast %scan3A_603 : i32 to index
          %swap3A_624 = arith.constant 32 : index
          %swap3A_625 = tpu.vector_load %arg16[%swap3A_623, %swap3A_624] {strides = array<i32>} : memref<64x128xf32, #tpu.memory_space<vmem>>, vector<16xf32>,
          tpu.vector_store %arg16[%swap3A_623, %swap3A_624], %mul3A_622 {strides = array<i32>} : memref<64x128xf32, #tpu.memory_space<vmem>>, vector<16xf32>,
          %get3A_626 = arith.index_cast %scan3A_603 : i32 to index
          %get3A_627 = arith.constant 48 : index
          %get3A_628 = tpu.vector_load %arg16[%get3A_626, %get3A_627] {strides = array<i32>} : memref<64x128xf32, #tpu.memory_space<vmem>>, vector<16xf32>,
          %mul3A_629 = arith.mulf %get3A_628, %gather3A : vector<16xf32>
          %swap3A_630 = arith.index_cast %scan3A_603 : i32 to index
          %swap3A_631 = arith.constant 48 : index
          %swap3A_632 = tpu.vector_load %arg16[%swap3A_630, %swap3A_631] {strides = array<i32>} : memref<64x128xf32, #tpu.memory_space<vmem>>, vector<16xf32>,
          tpu.vector_store %arg16[%swap3A_630, %swap3A_631], %mul3A_629 {strides = array<i32>} : memref<64x128xf32, #tpu.memory_space<vmem>>, vector<16xf32>,
          %get3A_633 = arith.index_cast %scan3A_603 : i32 to index
          %get3A_634 = arith.constant 64 : index
          %get3A_635 = tpu.vector_load %arg16[%get3A_633, %get3A_634] {strides = array<i32>} : memref<64x128xf32, #tpu.memory_space<vmem>>, vector<16xf32>,
          %mul3A_636 = arith.mulf %get3A_635, %gather3A : vector<16xf32>
          %swap3A_637 = arith.index_cast %scan3A_603 : i32 to index
          %swap3A_638 = arith.constant 64 : index
          %swap3A_639 = tpu.vector_load %arg16[%swap3A_637, %swap3A_638] {strides = array<i32>} : memref<64x128xf32, #tpu.memory_space<vmem>>, vector<16xf32>,
          tpu.vector_store %arg16[%swap3A_637, %swap3A_638], %mul3A_636 {strides = array<i32>} : memref<64x128xf32, #tpu.memory_space<vmem>>, vector<16xf32>,
          %get3A_640 = arith.index_cast %scan3A_603 : i32 to index
          %get3A_641 = arith.constant 80 : index
          %get3A_642 = tpu.vector_load %arg16[%get3A_640, %get3A_641] {strides = array<i32>} : memref<64x128xf32, #tpu.memory_space<vmem>>, vector<16xf32>,
          %mul3A_643 = arith.mulf %get3A_642, %gather3A : vector<16xf32>
          %swap3A_644 = arith.index_cast %scan3A_603 : i32 to index
          %swap3A_645 = arith.constant 80 : index
          %swap3A_646 = tpu.vector_load %arg16[%swap3A_644, %swap3A_645] {strides = array<i32>} : memref<64x128xf32, #tpu.memory_space<vmem>>, vector<16xf32>,
          tpu.vector_store %arg16[%swap3A_644, %swap3A_645], %mul3A_643 {strides = array<i32>} : memref<64x128xf32, #tpu.memory_space<vmem>>, vector<16xf32>,
          %get3A_647 = arith.index_cast %scan3A_603 : i32 to index
          %get3A_648 = arith.constant 96 : index
          %get3A_649 = tpu.vector_load %arg16[%get3A_647, %get3A_648] {strides = array<i32>} : memref<64x128xf32, #tpu.memory_space<vmem>>, vector<16xf32>,
          %mul3A_650 = arith.mulf %get3A_649, %gather3A : vector<16xf32>
          %swap3A_651 = arith.index_cast %scan3A_603 : i32 to index
          %swap3A_652 = arith.constant 96 : index
          %swap3A_653 = tpu.vector_load %arg16[%swap3A_651, %swap3A_652] {strides = array<i32>} : memref<64x128xf32, #tpu.memory_space<vmem>>, vector<16xf32>,
          tpu.vector_store %arg16[%swap3A_651, %swap3A_652], %mul3A_650 {strides = array<i32>} : memref<64x128xf32, #tpu.memory_space<vmem>>, vector<16xf32>,
          %get3A_654 = arith.index_cast %scan3A_603 : i32 to index
          %get3A_655 = arith.constant 112 : index
          %get3A_656 = tpu.vector_load %arg16[%get3A_654, %get3A_655] {strides = array<i32>} : memref<64x128xf32, #tpu.memory_space<vmem>>, vector<16xf32>,
          %mul3A_657 = arith.mulf %get3A_656, %gather3A : vector<16xf32>
          %swap3A_658 = arith.index_cast %scan3A_603 : i32 to index
          %swap3A_659 = arith.constant 112 : index
          %swap3A_660 = tpu.vector_load %arg16[%swap3A_658, %swap3A_659] {strides = array<i32>} : memref<64x128xf32, #tpu.memory_space<vmem>>, vector<16xf32>,
          tpu.vector_store %arg16[%swap3A_658, %swap3A_659], %mul3A_657 {strides = array<i32>} : memref<64x128xf32, #tpu.memory_space<vmem>>, vector<16xf32>,
        }
        %scan3A_595 = arith.constant 64 : i32
        "tpu.region"() ({
          %run_scoped3A = tpu.sem_alloc : memref<!tpu.dma_semaphore, #tpu.memory_space<semaphore_mem>>
          %dma_start3A_603 = arith.constant 0 : i32
          %dma_start3A_604 = tpu.memref_slice %arg10[%add3A_486, %dma_start3A_603] : memref<8x64xi32, #tpu.memory_space<vmem>> -> memref<1x64xi32, #tpu.memory_space<vmem>>
          %dma_start3A_605 = tpu.memref_squeeze %dma_start3A_604 : memref<1x64xi32, #tpu.memory_space<vmem>> -> memref<64xi32, #tpu.memory_space<vmem>>
          %dma_start3A_606 = arith.constant 0 : i32
          %dma_start3A_607 = arith.constant 0 : i32
          %dma_start3A_608 = tpu.memref_slice %arg25[%dma_start3A_606, %dma_start3A_607] : memref<10112x128xf32, #tpu.memory_space<vmem_shared>> -> memref<10112x128xf32, #tpu.memory_space<vmem_shared>>
          tpu.enqueue_indirect_dma source(%arg16 : memref<64x128xf32, #tpu.memory_space<vmem>>) target(%dma_start3A_608 : memref<10112x128xf32, #tpu.memory_space<vmem_shared>>) offsets(%dma_start3A_605 : memref<64xi32, #tpu.memory_space<vmem>>) semaphore(%run_scoped3A : memref<!tpu.dma_semaphore, #tpu.memory_space<semaphore_mem>>) {add = true}
          %dma_wait3A_609 = arith.constant 0 : i32
          %dma_wait3A_610 = tpu.memref_slice %arg10[%add3A_486, %dma_wait3A_609] : memref<8x64xi32, #tpu.memory_space<vmem>> -> memref<1x64xi32, #tpu.memory_space<vmem>>
          %dma_wait3A_611 = tpu.memref_squeeze %dma_wait3A_610 : memref<1x64xi32, #tpu.memory_space<vmem>> -> memref<64xi32, #tpu.memory_space<vmem>>
          %dma_wait3A_612 = arith.constant 0 : i32
          %dma_wait3A_613 = arith.constant 0 : i32
          %dma_wait3A_614 = tpu.memref_slice %arg25[%dma_wait3A_612, %dma_wait3A_613] : memref<10112x128xf32, #tpu.memory_space<vmem_shared>> -> memref<10112x128xf32, #tpu.memory_space<vmem_shared>>
          tpu.wait_indirect_dma semaphore(%run_scoped3A : memref<!tpu.dma_semaphore, #tpu.memory_space<semaphore_mem>>) src(%arg16 : memref<64x128xf32, #tpu.memory_space<vmem>>) dst(%dma_wait3A_614 : memref<10112x128xf32, #tpu.memory_space<vmem_shared>>)
          tpu.yield
        }) : () -> ()
        %add3A_596 = arith.constant 4 : i32
        %add3A_597 = arith.addi %add3A_486, %add3A_596 : i32
        %lt3A_598 = arith.constant 8 : i32
        %lt3A_599 = arith.cmpi slt, %add3A_597, %lt3A_598 : i32
        %convert_element_type3A_600 = arith.extui %lt3A_599 : i1 to i32
        %cond3A_601 = arith.constant 0 : i32
        %cond3A_602 = arith.cmpi ne, %convert_element_type3A_600, %cond3A_601 : i32
        scf.if %cond3A_602 {
          %add3A_603 = arith.constant 4 : i32
          %add3A_604 = arith.addi %add3A_486, %add3A_603 : i32
          %dma_start3A_605 = arith.constant 0 : i32
          %dma_start3A_606 = tpu.memref_slice %arg9[%add3A_604, %dma_start3A_605] : memref<8x64xi32, #tpu.memory_space<vmem>> -> memref<1x64xi32, #tpu.memory_space<vmem>>
          %dma_start3A_607 = tpu.memref_squeeze %dma_start3A_606 : memref<1x64xi32, #tpu.memory_space<vmem>> -> memref<64xi32, #tpu.memory_space<vmem>>
          %dma_start3A_608 = arith.constant 0 : i32
          %dma_start3A_609 = arith.constant 0 : i32
          %dma_start3A_610 = tpu.memref_slice %arg2[%dma_start3A_608, %dma_start3A_609] : memref<10000x128xf32, #tpu.memory_space<hbm>> -> memref<10000x128xf32, #tpu.memory_space<hbm>>
          tpu.enqueue_indirect_dma source(%dma_start3A_610 : memref<10000x128xf32, #tpu.memory_space<hbm>>) target(%arg16 : memref<64x128xf32, #tpu.memory_space<vmem>>) offsets(%dma_start3A_607 : memref<64xi32, #tpu.memory_space<vmem>>) semaphore(%arg29 : memref<!tpu.dma_semaphore, #tpu.memory_space<semaphore_mem>>)
          %dma_start3A_611 = arith.constant 0 : i32
          %dma_start3A_612 = tpu.memref_slice %arg9[%add3A_604, %dma_start3A_611] : memref<8x64xi32, #tpu.memory_space<vmem>> -> memref<1x64xi32, #tpu.memory_space<vmem>>
          %dma_start3A_613 = tpu.memref_squeeze %dma_start3A_612 : memref<1x64xi32, #tpu.memory_space<vmem>> -> memref<64xi32, #tpu.memory_space<vmem>>
          %dma_start3A_614 = arith.constant 0 : i32
          %dma_start3A_615 = tpu.memref_slice %arg3[%dma_start3A_614] : memref<10112xf32, #tpu.memory_space<hbm>> -> memref<10112xf32, #tpu.memory_space<hbm>>
          tpu.enqueue_indirect_dma source(%dma_start3A_615 : memref<10112xf32, #tpu.memory_space<hbm>>) target(%arg20 : memref<64xf32, #tpu.memory_space<vmem>>) offsets(%dma_start3A_613 : memref<64xi32, #tpu.memory_space<vmem>>) semaphore(%arg29 : memref<!tpu.dma_semaphore, #tpu.memory_space<semaphore_mem>>)
          %dma_start3A_616 = arith.constant 0 : i32
          %dma_start3A_617 = tpu.memref_slice %arg10[%add3A_604, %dma_start3A_616] : memref<8x64xi32, #tpu.memory_space<vmem>> -> memref<1x64xi32, #tpu.memory_space<vmem>>
          %dma_start3A_618 = tpu.memref_squeeze %dma_start3A_617 : memref<1x64xi32, #tpu.memory_space<vmem>> -> memref<64xi32, #tpu.memory_space<vmem>>
          %dma_start3A_619 = arith.constant 0 : i32
          %dma_start3A_620 = tpu.memref_slice %arg4[%dma_start3A_619] : memref<10112xf32, #tpu.memory_space<hbm>> -> memref<10112xf32, #tpu.memory_space<hbm>>
          tpu.enqueue_indirect_dma source(%dma_start3A_620 : memref<10112xf32, #tpu.memory_space<hbm>>) target(%arg24 : memref<64xf32, #tpu.memory_space<vmem>>) offsets(%dma_start3A_618 : memref<64xi32, #tpu.memory_space<vmem>>) semaphore(%arg29 : memref<!tpu.dma_semaphore, #tpu.memory_space<semaphore_mem>>)
        } else {
        }
      }
      %scan3A_130 = arith.constant 2 : i32
    }
    %scan3A_40 = arith.constant 20 : i32
    "tpu.region"() ({
      %run_scoped3A = tpu.sem_alloc : memref<!tpu.dma_semaphore, #tpu.memory_space<semaphore_mem>>
      %dma_start3A = arith.constant 0 : i32
      %dma_start3A_45 = tpu.memref_slice %arg8[%add3A, %dma_start3A] : memref<32x10112xf32, #tpu.memory_space<hbm>> -> memref<1x10112xf32, #tpu.memory_space<hbm>>
      %dma_start3A_46 = tpu.memref_squeeze %dma_start3A_45 : memref<1x10112xf32, #tpu.memory_space<hbm>> -> memref<10112xf32, #tpu.memory_space<hbm>>
      %dma_start3A_47 = arith.constant 0 : i32
      %dma_start3A_48 = tpu.memref_slice %arg8[%add3A, %dma_start3A_47] : memref<32x10112xf32, #tpu.memory_space<hbm>> -> memref<1x10112xf32, #tpu.memory_space<hbm>>
      %dma_start3A_49 = tpu.memref_squeeze %dma_start3A_48 : memref<1x10112xf32, #tpu.memory_space<hbm>> -> memref<10112xf32, #tpu.memory_space<hbm>>
      tpu.enqueue_dma source(%arg12 : memref<10112xf32, #tpu.memory_space<vmem>>) target(%dma_start3A_49 : memref<10112xf32, #tpu.memory_space<hbm>>) target_semaphore(%run_scoped3A : memref<!tpu.dma_semaphore, #tpu.memory_space<semaphore_mem>>)
      %dma_wait3A = arith.constant 0 : i32
      %dma_wait3A_50 = tpu.memref_slice %arg8[%add3A, %dma_wait3A] : memref<32x10112xf32, #tpu.memory_space<hbm>> -> memref<1x10112xf32, #tpu.memory_space<hbm>>
      %dma_wait3A_51 = tpu.memref_squeeze %dma_wait3A_50 : memref<1x10112xf32, #tpu.memory_space<hbm>> -> memref<10112xf32, #tpu.memory_space<hbm>>
      %dma_wait3A_52 = arith.constant 0 : i32
      %dma_wait3A_53 = tpu.memref_slice %arg8[%add3A, %dma_wait3A_52] : memref<32x10112xf32, #tpu.memory_space<hbm>> -> memref<1x10112xf32, #tpu.memory_space<hbm>>
      %dma_wait3A_54 = tpu.memref_squeeze %dma_wait3A_53 : memref<1x10112xf32, #tpu.memory_space<hbm>> -> memref<10112xf32, #tpu.memory_space<hbm>>
      tpu.wait_dma2 semaphore(%run_scoped3A : memref<!tpu.dma_semaphore, #tpu.memory_space<semaphore_mem>>) src(%arg12 : memref<10112xf32, #tpu.memory_space<vmem>>) dst(%dma_wait3A_54 : memref<10112xf32, #tpu.memory_space<hbm>>)
      tpu.yield
    }) : () -> ()
    %barrier3A_41 = arith.constant 0 : index
    tpu.barrier barrier_id(%barrier3A_41)
    %mul3A_42 = arith.constant 10112 : i32
    %mul3A_43 = arith.muli %arg0, %mul3A_42 : i32
    %add3A_44 = arith.addi %mul3A_43, %mul3A_14 : i32
    "tpu.region"() ({
      %run_scoped3A = tpu.sem_alloc : memref<!tpu.dma_semaphore, #tpu.memory_space<semaphore_mem>>
      %dma_start3A = arith.constant 0 : i32
      %dma_start3A_45 = tpu.memref_slice %arg7[%add3A_44, %dma_start3A] : memref<20224x128xf32, #tpu.memory_space<hbm>> -> memref<632x128xf32, #tpu.memory_space<hbm>>
      %dma_start3A_46 = arith.constant 0 : i32
      %dma_start3A_47 = tpu.memref_slice %arg25[%mul3A_14, %dma_start3A_46] : memref<10112x128xf32, #tpu.memory_space<vmem_shared>> -> memref<632x128xf32, #tpu.memory_space<vmem_shared>>
      tpu.enqueue_dma source(%dma_start3A_47 : memref<632x128xf32, #tpu.memory_space<vmem_shared>>) target(%dma_start3A_45 : memref<632x128xf32, #tpu.memory_space<hbm>>) target_semaphore(%run_scoped3A : memref<!tpu.dma_semaphore, #tpu.memory_space<semaphore_mem>>)
      %dma_wait3A = arith.constant 0 : i32
      %dma_wait3A_48 = tpu.memref_slice %arg7[%add3A_44, %dma_wait3A] : memref<20224x128xf32, #tpu.memory_space<hbm>> -> memref<632x128xf32, #tpu.memory_space<hbm>>
      %dma_wait3A_49 = arith.constant 0 : i32
      %dma_wait3A_50 = tpu.memref_slice %arg25[%mul3A_14, %dma_wait3A_49] : memref<10112x128xf32, #tpu.memory_space<vmem_shared>> -> memref<632x128xf32, #tpu.memory_space<vmem_shared>>
      tpu.wait_dma2 semaphore(%run_scoped3A : memref<!tpu.dma_semaphore, #tpu.memory_space<semaphore_mem>>) src(%dma_wait3A_50 : memref<632x128xf32, #tpu.memory_space<vmem_shared>>) dst(%dma_wait3A_48 : memref<632x128xf32, #tpu.memory_space<hbm>>)
      tpu.yield
    }) : () -> ()
    return
  }
}

module attributes {stable_mosaic.version = 14 : i64} {
  func.func @_pre_body(%arg0: memref<10000x128xf32, #tpu.memory_space<vmem>>, %arg1: memref<128x128xf32, #tpu.memory_space<vmem>>, %arg2: memref<1x128xf32, #tpu.memory_space<vmem>>, %arg3: memref<1x128xf32, #tpu.memory_space<vmem>>, %arg4: memref<10000x128xf32, #tpu.memory_space<vmem>>, %arg5: memref<10000x1xf32, #tpu.memory_space<vmem>>, %arg6: memref<10000x1xf32, #tpu.memory_space<vmem>>) attributes {dimension_semantics = [], scalar_prefetch = 0 : i64, scratch_operands = 0 : i64, tpu.core_type = #tpu.core_type<tc>} {
    %get3A = arith.constant 0 : index
    %get3A_0 = arith.constant 0 : index
    %get3A_1 = vector.load %arg0[%get3A, %get3A_0] : memref<10000x128xf32, #tpu.memory_space<vmem>>, vector<10000x128xf32>
    %get3A_2 = arith.constant 0 : index
    %get3A_3 = arith.constant 0 : index
    %get3A_4 = vector.load %arg1[%get3A_2, %get3A_3] : memref<128x128xf32, #tpu.memory_space<vmem>>, vector<128x128xf32>
    %dot_general3A = arith.constant dense<0.000000e+00> : vector<10000x128xf32>
    %dot_general3A_5 = tpu.matmul %get3A_1, %get3A_4, %dot_general3A {dimension_numbers = #tpu.dot_dimension_numbers<[1], [1], [0], [0], [0, 0, 1, 0], [], []>, transpose_lhs_hint = false} : vector<10000x128xf32>, vector<128x128xf32>, vector<10000x128xf32> -> vector<10000x128xf32>
    %swap3A = arith.constant 0 : index
    %swap3A_6 = arith.constant 0 : index
    %swap3A_7 = vector.load %arg4[%swap3A, %swap3A_6] : memref<10000x128xf32, #tpu.memory_space<vmem>>, vector<10000x128xf32>
    tpu.vector_store %arg4[%swap3A, %swap3A_6], %dot_general3A_5 {strides = array<i32>} : memref<10000x128xf32, #tpu.memory_space<vmem>>, vector<10000x128xf32>,
    %get3A_8 = arith.constant 0 : index
    %get3A_9 = arith.constant 0 : index
    %get3A_10 = vector.load %arg2[%get3A_8, %get3A_9] : memref<1x128xf32, #tpu.memory_space<vmem>>, vector<1x128xf32>
    %mul3A = vector.broadcast %get3A_10 : vector<1x128xf32> to vector<10000x128xf32>
    %mul3A_11 = arith.mulf %dot_general3A_5, %mul3A : vector<10000x128xf32>
    %reduce_sum3A = arith.constant dense<0.000000e+00> : vector<10000xf32>
    %reduce_sum3A_12 = vector.multi_reduction <add>, %mul3A_11, %reduce_sum3A [1] : vector<10000x128xf32> to vector<10000xf32>
    %broadcast_in_dim3A = vector.shape_cast %reduce_sum3A_12 : vector<10000xf32> to vector<10000x1xf32>
    %swap3A_13 = arith.constant 0 : index
    %swap3A_14 = arith.constant 0 : index
    %swap3A_15 = vector.load %arg5[%swap3A_13, %swap3A_14] : memref<10000x1xf32, #tpu.memory_space<vmem>>, vector<10000x1xf32>
    tpu.vector_store %arg5[%swap3A_13, %swap3A_14], %broadcast_in_dim3A {strides = array<i32>} : memref<10000x1xf32, #tpu.memory_space<vmem>>, vector<10000x1xf32>,
    %get3A_16 = arith.constant 0 : index
    %get3A_17 = arith.constant 0 : index
    %get3A_18 = vector.load %arg3[%get3A_16, %get3A_17] : memref<1x128xf32, #tpu.memory_space<vmem>>, vector<1x128xf32>
    %mul3A_19 = vector.broadcast %get3A_18 : vector<1x128xf32> to vector<10000x128xf32>
    %mul3A_20 = arith.mulf %dot_general3A_5, %mul3A_19 : vector<10000x128xf32>
    %reduce_sum3A_21 = arith.constant dense<0.000000e+00> : vector<10000xf32>
    %reduce_sum3A_22 = vector.multi_reduction <add>, %mul3A_20, %reduce_sum3A_21 [1] : vector<10000x128xf32> to vector<10000xf32>
    %broadcast_in_dim3A_23 = vector.shape_cast %reduce_sum3A_22 : vector<10000xf32> to vector<10000x1xf32>
    %swap3A_24 = arith.constant 0 : index
    %swap3A_25 = arith.constant 0 : index
    %swap3A_26 = vector.load %arg6[%swap3A_24, %swap3A_25] : memref<10000x1xf32, #tpu.memory_space<vmem>>, vector<10000x1xf32>
    tpu.vector_store %arg6[%swap3A_24, %swap3A_25], %broadcast_in_dim3A_23 {strides = array<i32>} : memref<10000x1xf32, #tpu.memory_space<vmem>>, vector<10000x1xf32>,
    return
  }
}

module attributes {stable_mosaic.version = 14 : i64} {
  func.func @_post_body(%arg0: memref<20224x128xf32, #tpu.memory_space<vmem>>, %arg1: memref<10112x32xf32, #tpu.memory_space<vmem>>, %arg2: memref<10000x128xf32, #tpu.memory_space<vmem>>, %arg3: memref<10000x1xf32, #tpu.memory_space<vmem>>, %arg4: memref<10000x1xf32, #tpu.memory_space<vmem>>, %arg5: memref<1x128xf32, #tpu.memory_space<vmem>>, %arg6: memref<10000x128xf32, #tpu.memory_space<vmem>>) attributes {dimension_semantics = [], scalar_prefetch = 0 : i64, scratch_operands = 0 : i64, tpu.core_type = #tpu.core_type<tc>} {
    %get3A = arith.constant 0 : index
    %get3A_0 = arith.constant 0 : index
    %get3A_1 = vector.load %arg0[%get3A, %get3A_0] : memref<20224x128xf32, #tpu.memory_space<vmem>>, vector<10000x128xf32>
    %get3A_2 = arith.constant 10112 : index
    %get3A_3 = arith.constant 0 : index
    %get3A_4 = vector.load %arg0[%get3A_2, %get3A_3] : memref<20224x128xf32, #tpu.memory_space<vmem>>, vector<10000x128xf32>
    %add3A = arith.addf %get3A_1, %get3A_4 : vector<10000x128xf32>
    %get3A_5 = arith.constant 0 : index
    %get3A_6 = arith.constant 0 : index
    %get3A_7 = vector.load %arg1[%get3A_5, %get3A_6] : memref<10112x32xf32, #tpu.memory_space<vmem>>, vector<10000x32xf32>
    %reduce_sum3A = arith.constant dense<0.000000e+00> : vector<10000xf32>
    %reduce_sum3A_8 = vector.multi_reduction <add>, %get3A_7, %reduce_sum3A [1] : vector<10000x32xf32> to vector<10000xf32>
    %broadcast_in_dim3A = vector.shape_cast %reduce_sum3A_8 : vector<10000xf32> to vector<10000x1xf32>
    %get3A_9 = arith.constant 0 : index
    %get3A_10 = arith.constant 0 : index
    %get3A_11 = vector.load %arg3[%get3A_9, %get3A_10] : memref<10000x1xf32, #tpu.memory_space<vmem>>, vector<10000x1xf32>
    %get3A_12 = arith.constant 0 : index
    %get3A_13 = arith.constant 0 : index
    %get3A_14 = vector.load %arg4[%get3A_12, %get3A_13] : memref<10000x1xf32, #tpu.memory_space<vmem>>, vector<10000x1xf32>
    %add3A_15 = arith.addf %get3A_11, %get3A_14 : vector<10000x1xf32>
    %neg3A = arith.constant 0.000000e+00 : f32
    %neg3A_16 = vector.broadcast %neg3A : f32 to vector<10000x1xf32>
    %neg3A_17 = arith.subf %neg3A_16, %add3A_15 : vector<10000x1xf32>
    %exp3A = math.exp %neg3A_17 : vector<10000x1xf32>
    %add3A_18 = arith.constant 1.000000e+00 : f32
    %add3A_19 = vector.broadcast %add3A_18 : f32 to vector<10000x1xf32>
    %add3A_20 = arith.addf %add3A_19, %exp3A : vector<10000x1xf32>
    %div3A = arith.constant 1.000000e+00 : f32
    %div3A_21 = vector.broadcast %div3A : f32 to vector<10000x1xf32>
    %div3A_22 = arith.divf %div3A_21, %add3A_20 : vector<10000x1xf32>
    %exp3A_23 = math.exp %div3A_22 : vector<10000x1xf32>
    %get3A_24 = arith.constant 0 : index
    %get3A_25 = arith.constant 0 : index
    %get3A_26 = vector.load %arg2[%get3A_24, %get3A_25] : memref<10000x128xf32, #tpu.memory_space<vmem>>, vector<10000x128xf32>
    %mul3A = vector.broadcast %exp3A_23 : vector<10000x1xf32> to vector<10000x128xf32>
    %mul3A_27 = arith.mulf %mul3A, %get3A_26 : vector<10000x128xf32>
    %add3A_28 = arith.addf %add3A, %mul3A_27 : vector<10000x128xf32>
    %add3A_29 = arith.addf %broadcast_in_dim3A, %exp3A_23 : vector<10000x1xf32>
    %div3A_30 = vector.broadcast %add3A_29 : vector<10000x1xf32> to vector<10000x128xf32>
    %div3A_31 = arith.divf %add3A_28, %div3A_30 : vector<10000x128xf32>
    %get3A_32 = arith.constant 0 : index
    %get3A_33 = arith.constant 0 : index
    %get3A_34 = vector.load %arg5[%get3A_32, %get3A_33] : memref<1x128xf32, #tpu.memory_space<vmem>>, vector<1x128xf32>
    %add3A_35 = vector.broadcast %get3A_34 : vector<1x128xf32> to vector<10000x128xf32>
    %add3A_36 = arith.addf %div3A_31, %add3A_35 : vector<10000x128xf32>
    %swap3A = arith.constant 0 : index
    %swap3A_37 = arith.constant 0 : index
    %swap3A_38 = vector.load %arg6[%swap3A, %swap3A_37] : memref<10000x128xf32, #tpu.memory_space<vmem>>, vector<10000x128xf32>
    tpu.vector_store %arg6[%swap3A, %swap3A_37], %add3A_36 {strides = array<i32>} : memref<10000x128xf32, #tpu.memory_space<vmem>>, vector<10000x128xf32>,
    return
  }
}

</mosaic_0001>

<sc_bundles>
// kernel: kernel.5.cloned.1.call-start
scs
__scs_entry_jumppad:
0x0: {  	(pc) =	sbr.rel $0x88, $3  }
0x1: {  	(tag) =	ssettag $0x0;
	lr =	simm.s32 $0x1  }
0x2: {  	[smem:$0x3F9B] =	sst lr;
	_ =	strace $0xD0000000  }
0x3: {  	_ = 	snop  }
0x4: {  	_ = 	snop  }
0x5: {  	_ = 	snop  }
0x6: {  	_ = 	snop  }
0x7: {  	_ = 	snop  }
__scs_overlays_trampoline_lowered:
0x8: {  	[smem:$0x3FAA] =	sst s0  }
0x9: {  	[smem:$0x3FAB] =	sst s1  }
0xa: {  	[smem:$0x3FAC] =	sst s2  }
0xb: {  	[smem:$0x3FAD] =	sst s3  }
0xc: {  	[smem:$0x3FAE] =	sst s4  }
0xd: {  	[smem:$0x3FAF] =	sst s5  }
0xe: {  	[smem:$0x3FB0] =	sst s6  }
0xf: {  	[smem:$0x3FB1] =	sst s7  }
0x10: {  	[smem:$0x3FB2] =	sst s8  }
0x11: {  	[smem:$0x3FB3] =	sst s9;
	s0 =	simm.s32 @!p0 $0x0  }
0x12: {  	s1 =	sld [smem:$0x3F99];
	s0 =	simm.s32 @p0 $0x1  }
0x13: {  	[smem:$0x3FB4] =	sst s0;
	s0 =	simm.s32 @!p1 $0x0  }
0x14: {  	s2 =	sld [smem:$0x3F98];
	s0 =	simm.s32 @p1 $0x1  }
0x15: {  	[smem:$0x3FB5] =	sst s0;
	s0 =	simm.s32 @!p2 $0x0  }
0x16: {  	s3 =	sld [smem:$0x3FDB];
	s0 =	simm.s32 @p2 $0x1  }
0x17: {  	s4 =	simm.s32 $0x1BF5;
	[smem:$0x3FB7] =	sst s0  }
0x18: {  	s0 =	sld [smem:$0x3F9A];
	_ =	swait.ge [sflag:s4], $0x0  }
0x19: {  	s7 =	sld [smem:$0x3F9B]  }
0x1a: {  	s8 =	sadd.s32 $0xFFFFE003, lr  }
0x1b: {  	s9 =	sadd.s32 $0xFFFFFEF7, lr;
	s5 =	simm.s32 $0xFFFFFFFF;
	p2 =	slt.u32 s8, $0xFFFFF086  }
0x1c: {  	p1 =	slt.u32 s9, $0xF7A;
	s5 =	simm.s32 @!p2 $0x0  }
0x1d: {  	s5 =	simm.s32 @p1 $0x1;
	p0 =	seq.s32 s7, s2  }
0x1e: {  	s7 =	smul.u32 @!p0 $0xF7A, s2;
	p2 =	seq.s32 @!p0 s5, $0x0  }
0x1f: {  	s9 =	smul.u32 $0xF7A, s1;
	s8 =	simm.s32 @!p0 $0x1BF5;
	p2 =	por !p2, p0  }
0x20: {  	[sflag:s8] =	ssyncset.s32 @!p0 $0xFFFFF086;
	s6 =	sadd.s32 @!p0 s3, s7;
	s7 =	simm.s32 @!p0 $0x108  }
0x21: {  	s3 =	sadd.s32 s3, s9;
	s6 =	sadd.s32 @!p0 $0x88, s6;
	s7 =	simm.s32 @p2 $0x1082  }
0x22: {  	[simem:s7], [sflag:s8] =	dma.local @!p0 [hbm:s6], $0xF7A  }
0x23: {  	s9 =	sor.u32 $0xD0000000, s2;
	s6 =	simm.s32 $0x108;
	_ =	swait.ge @!p0 [sflag:s8], $0x0  }
0x24: {  	s3 =	sadd.s32 $0x88, s3;
	s6 =	simm.s32 @!p1 $0x1082;
	[sflag:s4] =	ssyncset.s32 $0xFFFFF086  }
0x25: {  	[simem:s6], [sflag:s4] =	dma.local [hbm:s3], $0xF7A  }
0x26: {  	[smem:$0x3F9B] =	sst s1;
	(tag) =	ssettag s2;
	_ =	strace s9  }
0x27: {  	s1 =	sld [smem:$0x3FAB]  }
0x28: {  	s2 =	sld [smem:$0x3FAC]  }
0x29: {  	s4 =	sld [smem:$0x3FAE]  }
0x2a: {  	p0 =	seq.s32 s5, $0x0;
	s5 =	sld [smem:$0x3FAF]  }
0x2b: {  	s6 =	sld [smem:$0x3FB0]  }
0x2c: {  	s7 =	sld [smem:$0x3FB1]  }
0x2d: {  	s3 =	simm.s32 $0x108;
	s8 =	sld [smem:$0x3FB2]  }
0x2e: {  	s3 =	simm.s32 @!p0 $0x1082;
	s9 =	sld [smem:$0x3FB3]  }
0x2f: {  	lr =	sadd.s32 s0, s3;
	s0 =	sld [smem:$0x3FAA]  }
0x30: {  	s3 =	sld [smem:$0x3FAD]  }
0x31: {  	[smem:$0x3FB6] =	sst s10  }
0x32: {  	s10 =	sld [smem:$0x3FB4];
	_ =	sdelay $0x3  }
0x33: {  	p0 =	seq.s32 s10, $0x1;
	s10 =	sld [smem:$0x3FB6];
	_ =	sdelay $0x3  }
0x34: {  	[smem:$0x3FB6] =	sst s10  }
0x35: {  	s10 =	sld [smem:$0x3FB5];
	_ =	sdelay $0x3  }
0x36: {  	p1 =	seq.s32 s10, $0x1;
	s10 =	sld [smem:$0x3FB6];
	_ =	sdelay $0x3  }
0x37: {  	[smem:$0x3FB6] =	sst s10  }
0x38: {  	s10 =	sld [smem:$0x3FB7]  }
0x39: {  	_ = 	snop;
	(pc) =	sbr.ind lr, $3  }
0x3a: {  	_ = 	snop  }
0x3b: {  	_ = 	snop  }
0x3c: {  	p2 =	seq.s32 s10, $0x1;
	s10 =	sld [smem:$0x3FB6]  }
0x3d: {  	_ =	shalt  }
0x3e: {  	_ =	shalt  }
0x3f: {  	_ =	shalt  }
0x40: {  	_ =	shalt  }
0x41: {  	_ =	shalt  }
0x42: {  	_ =	shalt  }
0x43: {  	_ =	shalt  }
0x44: {  	_ =	shalt  }
0x45: {  	_ =	shalt  }
0x46: {  	_ =	shalt  }
0x47: {  	_ =	shalt  }
0x48: {  	_ =	shalt  }
0x49: {  	_ =	shalt  }
0x4a: {  	_ =	shalt  }
0x4b: {  	_ =	shalt  }
0x4c: {  	_ =	shalt  }
0x4d: {  	_ =	shalt  }
0x4e: {  	_ =	shalt  }
0x4f: {  	_ =	shalt  }
0x50: {  	_ =	shalt  }
0x51: {  	_ =	shalt  }
0x52: {  	_ =	shalt  }
0x53: {  	_ =	shalt  }
0x54: {  	_ =	shalt  }
0x55: {  	_ =	shalt  }
0x56: {  	_ =	shalt  }
0x57: {  	_ =	shalt  }
0x58: {  	_ =	shalt  }
0x59: {  	_ =	shalt  }
0x5a: {  	_ =	shalt  }
0x5b: {  	_ =	shalt  }
0x5c: {  	_ =	shalt  }
0x5d: {  	_ =	shalt  }
0x5e: {  	_ =	shalt  }
0x5f: {  	_ =	shalt  }
0x60: {  	_ =	shalt  }
0x61: {  	_ =	shalt  }
0x62: {  	_ =	shalt  }
0x63: {  	_ =	shalt  }
0x64: {  	_ =	shalt  }
0x65: {  	_ =	shalt  }
0x66: {  	_ =	shalt  }
0x67: {  	_ =	shalt  }
0x68: {  	_ =	shalt  }
0x69: {  	_ =	shalt  }
0x6a: {  	_ =	shalt  }
0x6b: {  	_ =	shalt  }
0x6c: {  	_ =	shalt  }
0x6d: {  	_ =	shalt  }
0x6e: {  	_ =	shalt  }
0x6f: {  	_ =	shalt  }
0x70: {  	_ =	shalt  }
0x71: {  	_ =	shalt  }
0x72: {  	_ =	shalt  }
0x73: {  	_ =	shalt  }
0x74: {  	_ =	shalt  }
0x75: {  	_ =	shalt  }
0x76: {  	_ =	shalt  }
0x77: {  	_ =	shalt  }
0x78: {  	_ =	shalt  }
0x79: {  	_ =	shalt  }
0x7a: {  	_ =	shalt  }
0x7b: {  	_ =	shalt  }
0x7c: {  	_ =	shalt  }
0x7d: {  	_ =	shalt  }
0x7e: {  	_ =	shalt  }
0x7f: {  	_ =	shalt  }
0x80: {  	_ =	shalt  }
0x81: {  	_ =	shalt  }
0x82: {  	_ =	shalt  }
0x83: {  	_ =	shalt  }
0x84: {  	_ =	shalt  }
0x85: {  	_ =	shalt  }
0x86: {  	_ =	shalt  }
0x87: {  	_ =	shalt  }
.Lfunc_end0:
.L_simem_size_0:
called_computation_lowered:
.L_overlay_start_0:
0x88: {  	s2 =	sld [smem:$0x3FD9]  }
0x89: {  	s3 =	sld [smem:$0x3FFE];
	_ =	sdelay $0x1  }
0x8a: {  	s1 =	srdreg.scid  }
0x8b: {  	s0 =	sand.u32 $0x1, s1  }
0x8c: {  	s17 =	sshll.u32 s0, $0xA;
	s2 =	sadd.s32 s3, s2  }
0x8d: {  	s2 =	sadd.s32 s2, s17  }
0x8e: {  	[smem:$0x3FC2] =	sst s2  }
0x8f: {  	_ = 	snop  }
0x90: {  	s2 =	sld [smem:$0x3FD0];
	(tm) =	ssettm $0x1  }
0x91: {  	s18 =	sld [smem:$0x3FFB];
	_ =	sdelay $0x3  }
0x92: {  	_ =	strace s18  }
0x93: {  	s3 =	sld [smem:$0x3FFC];
	_ =	sdelay $0x3  }
0x94: {  	_ =	strace s3  }
0x95: {  	s3 =	sld [smem:$0x3FFD];
	_ =	sdelay $0x3  }
0x96: {  	_ =	strace s3  }
0x97: {  	_ =	strace $0x8FFFFFFF  }
0x98: {  	s19 =	sld [smem:$0x3FDB];
	_ =	sdelay $0x1  }
0x99: {  	s4 =	simm.s32 $_scs_section_size  }
0x9a: {  	s5 =	simm.s32 $_size__tile_overlayer_lowered;
	s6 =	simm.s32 $_tile_overlayer_lowered  }
0x9b: {  	s22 =	simm.s32 $0x1BFF;
	s21 =	sshll.u32 s6, $0x1;
	s3 =	sadd.s32 s4, s19  }
0x9c: {  	s7 =	simm.s32 $0x0;
	s20 =	sshll.u32 s5, $0x1;
	s5 =	sadd.s32 s21, s3  }
0x9d: {  	[timem:s7], [sflag:s22] =	dma.local [hbm:s5], s20  }
0x9e: {  	_ =	swait.ge [sflag:s22], s20  }
0x9f: {  	s4 =	ssub.s32 $0x0, s20;
	[sflag:s22] =	ssyncset.done $0x0  }
0xa0: {  	[sflag:s22] =	ssyncadd.s32 s4;
	_ =	sdelay $0x1  }
0xa1: {  	s23 =	simm.s32 $0x1B8B  }
0xa2: {  	_ =	swait.ge [sflag:s23], $0x1  }
0xa3: {  	[sflag:s23] =	ssyncset.done $0x0  }
0xa4: {  	s25 =	simm.s32 $0x1B8E;
	s24 =	sld [smem:$0x3FFE];
	[sflag:s23] =	ssyncadd.s32 $0xFFFFFFFF  }
0xa5: {  	s26 =	simm.s32 $execute0_lowered;
	[smem:$0x3FD2] =	sst s25  }
0xa6: {  	s5 =	sshll.u32 s26, $0x1;
	_ =	strace $0x80000046;
	[dreg:$0x1] =	wrdreg $0xFFFFFFFF  }
0xa7: {  	s28 =	simm.s32 $_size_execute0_lowered;
	s3 =	sadd.s32 s3, s5;
	[dreg:$0x0] =	wrdreg $0x0  }
0xa8: {  	s5 =	sshll.u32 s28, $0x1;
	[dreg:$0x2] =	wrdreg s3  }
0xa9: {  	[dreg:$0x3] =	wrdreg s5  }
0xaa: {  	[dreg:$0x4] =	wrdreg $0xC0  }
0xab: {  	_ =	task [dreg:s7], $0x5FFFF  }
0xac: {  	[dreg:$0x1] =	wrdreg $0xFFFFFFFF  }
0xad: {  	[dreg:$0x0] =	wrdreg $0x60  }
0xae: {  	[dreg:$0x2] =	wrdreg s2  }
0xaf: {  	[dreg:$0x3] =	wrdreg s24  }
0xb0: {  	[dreg:$0x4] =	wrdreg $0xB4000  }
0xb1: {  	[dreg:$0x5] =	wrdreg $0x9  }
0xb2: {  	_ =	task.clear_ibuf [dreg:s7], $0x6FFFF;
	_ =	strace $0x90000046  }
0xb3: {  	s29 =	simm.s32 $0x9;
	_ =	strace $0x80000048  }
0xb4: {  	_ =	swait.ge [sflag:s29], $0x1  }
0xb5: {  	[sflag:s29] =	ssyncadd.s32 $0xFFFFFFFF  }
0xb6: {  	_ =	strace $0x90000048  }
0xb7: {  	_ =	sfence  }
0xb8: {  	s30 =	sld [smem:$0x0];
	_ =	sdelay $0x2  }
0xb9: {  	s31 =	sshll.u32 s1, $0xD;
	s1 =	sshrl.u32 s1, $0x2  }
0xba: {  	s3 =	sand.u32 $0x4000, s31;
	s1 =	sadd.s32 s1, s30  }
0xbb: {  	s0 =	sor.u32 s3, s0;
	s1 =	sshll.u32 s1, $0x11  }
0xbc: {  	s0 =	sor.u32 s1, s0  }
0xbd: {  	s0 =	sadd.s32 $0x8F2B, s0  }
0xbe: {  	[sflag:s0] =	ssyncadd.remote.s32 $0x1  }
0xbf: {  	_ =	sfence.sel $0xFFFF  }
0xc0: {  	[dreg:$0x0] =	wrdreg $0xFFFFFFFF;
	(pc) =	sbr.abs _section_cstart, $3  }
0xc1: {  	[dreg:$0x1] =	wrdreg $0xFFFFFFFF  }
0xc2: {  	_ =	task.clear_ibuf [dreg:s7], $0x2FFFF;
	_ =	strace $0x9FFFFFFF  }
0xc3: {  	(tm) =	ssettm $0x7FFFFFFF  }
tec
execute0_lowered:
.L_overlay_start_1:
0x0: {  	(tag) =	ssettag $0x1  }
0x1: {  	s1 =	rddreg [dreg:$0x0]  }
0x2: {  	s0 =	rddreg [dreg:$0x1]  }
0x3: {  	s2 =	rddreg [dreg:$0x2];
	s7 =	simm.s32 $0x0;
	s3 =	srdreg.scid  }
0x4: {  	s12 =	stileid.u32;
	s30 =	simm.s32 $0x80;
	s31 =	simm.s32 $0x5000  }
0x5: {  	s28 =	simm.s32 $0x4;
	s29 =	simm.s32 $0x0;
	[smem:$0x7FF] =	sst s7  }
0x6: {  	s3 =	sand.u32 $0x1, s3;
	s5 =	sadd.s32 $0x29000, s0;
	s8 =	smul.u32 $0x2780, s12  }
0x7: {  	s6 =	sadd.s32 $0x29600, s0;
	s11 =	sadd.s32 $0x15000, s0;
	s13 =	sshll.u32 s12, $0x7  }
0x8: {  	s4 =	sshll.u32 s3, $0x4;
	s9 =	smul.u32 $0x27800, s3;
	s3 =	ssub.s32 $0x2, s3  }
0x9: {  	_ =	strace $0x80000047;
	s4 =	sor.u32 s12, s4;
	s15 =	sshrl.u32 s3, $0x1  }
0xa: {  	s12 =	smul.u32 $0x4F000, s12;
	s9 =	sadd.s32 s8, s9;
	s3 =	ssub.s32 s3, s15  }
0xb: {  	[dreg:$0x5] =	wrdreg s11;
	s9 =	sadd.s32 s9, s0;
	s26 =	smax.u32 s3, $0x1  }
0xc: {  	s14 =	sshrl.u32 s12, $0x2;
	s25 =	sadd.s32 $0x33A00, s9;
	[dreg:$0x12] =	wrdreg s26  }
0xd: {  	s11 =	sand.u32 $0x380, s13;
	s13 =	sadd.s32 s14, s2;
	[dreg:$0x11] =	wrdreg s25  }
0xe: {  	s10 =	sshrl.u32 s4, $0x3;
	s16 =	sadd.s32 $0x2000, s13;
	[dreg:$0x6] =	wrdreg s13  }
0xf: {  	s8 =	sadd.s32 $0x1000, s0;
	s17 =	sadd.s32 $0x4000, s13;
	[dreg:$0x7] =	wrdreg s16  }
0x10: {  	s10 =	smul.u32 $0x13C00, s10;
	s18 =	sadd.s32 $0x6000, s13;
	[dreg:$0x8] =	wrdreg s17  }
0x11: {  	s12 =	simm.s32 $0x7000;
	s19 =	sadd.s32 $0x8000, s13;
	[dreg:$0x9] =	wrdreg s18  }
0x12: {  	s3 =	simm.s32 $0x3;
	s20 =	sadd.s32 $0xA000, s13;
	[dreg:$0xa] =	wrdreg s19  }
0x13: {  	s26 =	simm.s32 $0x40;
	s21 =	sadd.s32 $0xC000, s13;
	[dreg:$0xb] =	wrdreg s20  }
0x14: {  	s9 =	simm.s32 $0x2;
	s22 =	sadd.s32 $0xE000, s13;
	[dreg:$0xc] =	wrdreg s21  }
0x15: {  	s10 =	sor.u32 s11, s10;
	s23 =	sadd.s32 $0x10000, s13;
	[dreg:$0xd] =	wrdreg s22  }
0x16: {  	s24 =	sadd.s32 $0x12000, s13;
	s25 =	simm.s32 $0x400;
	[dreg:$0xe] =	wrdreg s23  }
0x17: {  	s11 =	simm.s32 $0x100;
	s10 =	sshrl.u32 s10, $0x3;
	[dreg:$0xf] =	wrdreg s24  }
0x18: {  	s19 =	smul.u32 $0x5000, s4;
	s23 =	simm.s32 $0x3000;
	s24 =	simm.s32 $0x5  }
0x19: {  	s16 =	simm.s32 $0x9000;
	s17 =	simm.s32 $0xB180;
	s0 =	sadd.s32 s10, s0  }
0x1a: {  	s18 =	simm.s32 $0xB380;
	s20 =	simm.s32 $0x1;
	s0 =	sadd.s32 $0x29C00, s0  }
0x1b: {  	v0 =	vimm.f32 $0.0e+00;
	s21 =	simm.s32 $0x880;
	s22 =	simm.s32 $0x800;
	[dreg:$0x10] =	wrdreg s0  }
.LBB2_1:
0x1c: {  	s0 =	simm.s32 $0x0;
	s4 =	simm.s32 $0x200  }
.LBB2_2:
0x1d: {  	p0 =	sne.s32 s4, $0x7E00;
	[tilespmem:s0+$0x3070] =	vst v0  }
0x1e: {  	[tilespmem:s0+$0x3000] =	vst v0  }
0x1f: {  	[tilespmem:s0+$0x3010] =	vst v0  }
.Ltmp0:
0x20: {  	[tilespmem:s0+$0x3020] =	vst v0;
	(pc) =	sbr.rel @p0 .LBB2_2-.Ltmp0, $4  }
0x21: {  	[tilespmem:s0+$0x3030] =	vst v0  }
0x22: {  	[tilespmem:s0+$0x3040] =	vst v0  }
0x23: {  	[tilespmem:s0+$0x3050] =	vst v0  }
0x24: {  	[tilespmem:s0+$0x3060] =	vst v0;
	s0 =	sshra.s32 s4, $0x2;
	s4 =	sadd.s32 $0x200, s4  }
0x25: {  	[tilespmem:s0+$0x3070] =	vst v0  }
0x26: {  	[tilespmem:s0+$0x3000] =	vst v0  }
0x27: {  	[tilespmem:s0+$0x3010] =	vst v0  }
0x28: {  	[tilespmem:s0+$0x3020] =	vst v0  }
0x29: {  	[tilespmem:s0+$0x3030] =	vst v0  }
0x2a: {  	[tilespmem:s0+$0x3040] =	vst v0  }
0x2b: {  	[tilespmem:s0+$0x3050] =	vst v0  }
0x2c: {  	[dreg:$0x4] =	wrdreg s7;
	[tilespmem:s0+$0x3060] =	vst v0;
	s0 =	simm.s32 $0x40;
	s4 =	simm.s32 $0x0  }
.LBB2_4:
0x2d: {  	p0 =	sne.s32 s0, $0x9DC0;
	[tilespmem:s4+$0x880] =	vst v0;
	s4 =	smov.u32 s0;
	s0 =	sadd.s32 $0x40, s0  }
.Ltmp1:
0x2e: {  	(pc) =	sbr.rel @p0 .LBB2_4-.Ltmp1, $2  }
0x2f: {  	_ =	sdelay $0x2  }
0x30: {  	s4 =	sshra.s32 s4, $0x2  }
0x31: {  	[tilespmem:s4+$0x880] =	vst v0  }
0x32: {  	[spmem:s13] =	stream.linear.scatter [tilespmem:s23], [sflag:$0x5], $0x2000, $0x38;
	[tilespmem:$0x1F000] =	vst v63  }
0x33: {  	_ =	swait.ge [sflag:s24], $0x2000  }
0x34: {  	[sflag:s24] =	ssyncset.done $0x0  }
0x35: {  	s0 =	rddreg [dreg:$0x7];
	[sflag:s24] =	ssyncadd.s32 $0xFFFFE000  }
0x36: {  	[spmem:s0] =	stream.linear.scatter [tilespmem:s23], [sflag:$0x5], $0x2000, $0x38;
	[tilespmem:$0x1F000] =	vst v63  }
0x37: {  	_ =	swait.ge [sflag:s24], $0x2000  }
0x38: {  	[sflag:s24] =	ssyncset.done $0x0  }
0x39: {  	s14 =	rddreg [dreg:$0x8];
	[sflag:s24] =	ssyncadd.s32 $0xFFFFE000  }
0x3a: {  	[spmem:s14] =	stream.linear.scatter [tilespmem:s23], [sflag:$0x5], $0x2000, $0x38;
	[tilespmem:$0x1F000] =	vst v63  }
0x3b: {  	_ =	swait.ge [sflag:s24], $0x2000  }
0x3c: {  	[sflag:s24] =	ssyncset.done $0x0  }
0x3d: {  	s15 =	rddreg [dreg:$0x9];
	[sflag:s24] =	ssyncadd.s32 $0xFFFFE000  }
0x3e: {  	[spmem:s15] =	stream.linear.scatter [tilespmem:s23], [sflag:$0x5], $0x2000, $0x38;
	[tilespmem:$0x1F000] =	vst v63  }
0x3f: {  	_ =	swait.ge [sflag:s24], $0x2000  }
0x40: {  	[sflag:s24] =	ssyncset.done $0x0  }
0x41: {  	s4 =	rddreg [dreg:$0xa];
	[sflag:s24] =	ssyncadd.s32 $0xFFFFE000  }
0x42: {  	[spmem:s4] =	stream.linear.scatter [tilespmem:s23], [sflag:$0x5], $0x2000, $0x38;
	[tilespmem:$0x1F000] =	vst v63  }
0x43: {  	_ =	swait.ge [sflag:s24], $0x2000  }
0x44: {  	[sflag:s24] =	ssyncset.done $0x0  }
0x45: {  	s7 =	rddreg [dreg:$0xb];
	[sflag:s24] =	ssyncadd.s32 $0xFFFFE000  }
0x46: {  	[spmem:s7] =	stream.linear.scatter [tilespmem:s23], [sflag:$0x5], $0x2000, $0x38;
	[tilespmem:$0x1F000] =	vst v63  }
0x47: {  	_ =	swait.ge [sflag:s24], $0x2000  }
0x48: {  	[sflag:s24] =	ssyncset.done $0x0  }
0x49: {  	s10 =	rddreg [dreg:$0xc];
	[sflag:s24] =	ssyncadd.s32 $0xFFFFE000  }
0x4a: {  	[spmem:s10] =	stream.linear.scatter [tilespmem:s23], [sflag:$0x5], $0x2000, $0x38;
	[tilespmem:$0x1F000] =	vst v63  }
0x4b: {  	_ =	swait.ge [sflag:s24], $0x2000  }
0x4c: {  	[sflag:s24] =	ssyncset.done $0x0  }
0x4d: {  	s13 =	rddreg [dreg:$0xd];
	[sflag:s24] =	ssyncadd.s32 $0xFFFFE000  }
0x4e: {  	[spmem:s13] =	stream.linear.scatter [tilespmem:s23], [sflag:$0x5], $0x2000, $0x38;
	[tilespmem:$0x1F000] =	vst v63  }
0x4f: {  	_ =	swait.ge [sflag:s24], $0x2000  }
0x50: {  	[sflag:s24] =	ssyncset.done $0x0  }
0x51: {  	s14 =	rddreg [dreg:$0xe];
	[sflag:s24] =	ssyncadd.s32 $0xFFFFE000  }
0x52: {  	[spmem:s14] =	stream.linear.scatter [tilespmem:s23], [sflag:$0x5], $0x2000, $0x38;
	[tilespmem:$0x1F000] =	vst v63  }
0x53: {  	_ =	swait.ge [sflag:s24], $0x2000  }
0x54: {  	[sflag:s24] =	ssyncset.done $0x0  }
0x55: {  	s15 =	rddreg [dreg:$0xf];
	[sflag:s24] =	ssyncadd.s32 $0xFFFFE000  }
0x56: {  	[spmem:s15] =	stream.linear.scatter [tilespmem:s23], [sflag:$0x5], $0x1C00, $0x38;
	[tilespmem:$0x1F000] =	vst v63  }
0x57: {  	_ =	swait.ge [sflag:s24], $0x1C00  }
0x58: {  	[sflag:s24] =	ssyncset.done $0x0  }
0x59: {  	[sflag:s24] =	ssyncadd.s32 $0xFFFFE400  }
0x5a: {  	s0 =	simm.s32 $0x0;
	[bflag:$0x0] =	sbarrier.arrive $0xFFFF  }
.LBB2_6:
0x5b: {  	s4 =	sshll.u32 s0, $0xA  }
0x5c: {  	s4 =	sadd.s32 s19, s4  }
0x5d: {  	s7 =	rddreg [dreg:$0x5];
	s4 =	sshrl.u32 s4, $0x3  }
0x5e: {  	s10 =	sadd.s32 s7, s4  }
0x5f: {  	[tilespmem:s29], [sflag:$0x5] =	stream.linear.gather [hbm4b:s10+s29], $0x400, $0x38;
	[tilespmem:$0x1F000] =	vst v63  }
0x60: {  	_ =	swait.ge [sflag:s24], $0x400  }
0x61: {  	[sflag:s24] =	ssyncset.done $0x0  }
0x62: {  	s4 =	sadd.s32 s8, s4;
	[sflag:s24] =	ssyncadd.s32 $0xFFFFFC00  }
0x63: {  	[tilespmem:s25], [sflag:$0x5] =	stream.linear.gather [hbm4b:s4+s29], $0x400, $0x38;
	[tilespmem:$0x1F000] =	vst v63  }
0x64: {  	_ =	swait.ge [sflag:s24], $0x400  }
0x65: {  	[sflag:s24] =	ssyncset.done $0x0  }
0x66: {  	[sflag:s24] =	ssyncadd.s32 $0xFFFFFC00  }
0x67: {  	[tilespmem:s23], [sflag:$0x1] =	stream.indirect.gather [hbm4b:s1+s26], $0x80, s29, s26, $0xb8;
	[tilespmem:$0x1F000] =	vst v63  }
0x68: {  	s13 =	simm.s32 $0xB000  }
0x69: {  	[tilespmem:s13], [sflag:$0x1] =	stream.indirect.gather [hbm4b:s5+s26], $0x1, s29, s26, $0xb8;
	[tilespmem:$0x1F000] =	vst v63  }
0x6a: {  	s14 =	simm.s32 $0xB200  }
0x6b: {  	[tilespmem:s14], [sflag:$0x1] =	stream.indirect.gather [hbm4b:s6+s26], $0x1, s25, s26, $0xb8;
	[tilespmem:$0x1F000] =	vst v63  }
0x6c: {  	_ = 	snop  }
0x6d: {  	[tilespmem:s31], [sflag:$0x2] =	stream.indirect.gather [hbm4b:s1+s26], $0x80, s30, s26, $0xb8;
	[tilespmem:$0x1F000] =	vst v63  }
0x6e: {  	s15 =	simm.s32 $0xB080  }
0x6f: {  	[tilespmem:s15], [sflag:$0x2] =	stream.indirect.gather [hbm4b:s5+s26], $0x1, s30, s26, $0xb8;
	[tilespmem:$0x1F000] =	vst v63  }
0x70: {  	s7 =	simm.s32 $0x480;
	s10 =	simm.s32 $0xB280  }
0x71: {  	[tilespmem:s10], [sflag:$0x2] =	stream.indirect.gather [hbm4b:s6+s26], $0x1, s7, s26, $0xb8;
	[tilespmem:$0x1F000] =	vst v63  }
0x72: {  	p1 =	por $0x1, $0x1  }
0x73: {  	[tilespmem:s12], [sflag:$0x3] =	stream.indirect.gather [hbm4b:s1+s26], $0x80, s11, s26, $0xb8;
	[tilespmem:$0x1F000] =	vst v63  }
0x74: {  	s4 =	simm.s32 $0x0;
	s13 =	simm.s32 $0xB100;
	s14 =	simm.s32 $0x500  }
0x75: {  	[tilespmem:s13], [sflag:$0x3] =	stream.indirect.gather [hbm4b:s5+s26], $0x1, s11, s26, $0xb8;
	[tilespmem:$0x1F000] =	vst v63  }
0x76: {  	s15 =	simm.s32 $0xB300;
	s10 =	simm.s32 $0x580;
	s13 =	simm.s32 $0x180  }
0x77: {  	[tilespmem:s15], [sflag:$0x3] =	stream.indirect.gather [hbm4b:s6+s26], $0x1, s14, s26, $0xb8;
	[tilespmem:$0x1F000] =	vst v63  }
.LBB2_7:
0x78: {  	[tilespmem:s16], [sflag:$0x4] =	stream.indirect.gather [hbm4b:s1+s26], $0x80, s13, s26, $0xb8;
	[tilespmem:$0x1F000] =	vst v63  }
0x79: {  	_ = 	snop  }
0x7a: {  	[tilespmem:s17], [sflag:$0x4] =	stream.indirect.gather [hbm4b:s5+s26], $0x1, s13, s26, $0xb8;
	[tilespmem:$0x1F000] =	vst v63  }
0x7b: {  	_ = 	snop  }
0x7c: {  	[tilespmem:s18], [sflag:$0x4] =	stream.indirect.gather [hbm4b:s6+s26], $0x1, s10, s26, $0xb8;
	[tilespmem:$0x1F000] =	vst v63  }
0x7d: {  	_ =	swait.ge [sflag:s20], $0x2000  }
0x7e: {  	[sflag:s20] =	ssyncset.done $0x0  }
0x7f: {  	[sflag:s20] =	ssyncadd.s32 $0xFFFFE000  }
0x80: {  	_ =	swait.ge [sflag:s20], $0x40  }
0x81: {  	[sflag:s20] =	ssyncset.done $0x0  }
0x82: {  	[sflag:s20] =	ssyncadd.s32 $0xFFFFFFC0  }
0x83: {  	_ =	swait.ge [sflag:s20], $0x40  }
0x84: {  	[sflag:s20] =	ssyncset.done $0x0  }
0x85: {  	[sflag:s20] =	ssyncadd.s32 $0xFFFFFFC0  }
0x86: {  	v1 =	vld [tilespmem:$0xB000]  }
0x87: {  	v2 =	vld [tilespmem:$0xB200];
	_ =	sdelay $0x4  }
0x88: {  	v1 =	vadd.f32 v2, v1;
	_ =	sdelay $0x1  }
0x89: {  	v1 =	vsub.f32 $0.0e+00, v1;
	_ =	sdelay $0x1  }
0x8a: {  	v1 =	vmul.f32 $1.442695020e+00, v1;
	_ =	sdelay $0x1  }
0x8b: {  	(erf) = vpow2.f32 v1;
	_ =	sdelay $0x8  }
0x8c: {  	v1 =	vpop (erf)  }
0x8d: {  	v1 =	vadd.f32 $1.000000000e+00, v1;
	_ =	sdelay $0x1  }
0x8e: {  	(erf) = vrcp.f32 v1;
	_ =	sdelay $0x8  }
0x8f: {  	v1 =	vpop (erf)  }
0x90: {  	v1 =	vmul.f32 $1.442695020e+00, v1;
	_ =	sdelay $0x1  }
0x91: {  	(erf) = vpow2.f32 v1;
	_ =	sdelay $0x1  }
0x92: {  	s4 =	sshra.s32 s4, $0x2  }
0x93: {  	v1 =	vld [tilespmem:s4+$0x400];
	_ =	sdelay $0x5  }
0x94: {  	v2 =	vpop (erf)  }
0x95: {  	[tilespmem:$0x800] =	vst v2  }
0x96: {  	[tilespmem:v1+s21+$0x0] =	vst.idx.add.f32.msk $0xffff, v2  }
0x97: {  	v1 =	vld [tilespmem:$0xB010]  }
0x98: {  	v2 =	vld [tilespmem:$0xB210];
	_ =	sdelay $0x4  }
0x99: {  	v1 =	vadd.f32 v2, v1;
	_ =	sdelay $0x1  }
0x9a: {  	v1 =	vsub.f32 $0.0e+00, v1;
	_ =	sdelay $0x1  }
0x9b: {  	v1 =	vmul.f32 $1.442695020e+00, v1;
	_ =	sdelay $0x1  }
0x9c: {  	(erf) = vpow2.f32 v1;
	_ =	sdelay $0x8  }
0x9d: {  	v1 =	vpop (erf)  }
0x9e: {  	v1 =	vadd.f32 $1.000000000e+00, v1;
	_ =	sdelay $0x1  }
0x9f: {  	(erf) = vrcp.f32 v1;
	_ =	sdelay $0x8  }
0xa0: {  	v1 =	vpop (erf)  }
0xa1: {  	v1 =	vmul.f32 $1.442695020e+00, v1;
	_ =	sdelay $0x1  }
0xa2: {  	(erf) = vpow2.f32 v1;
	_ =	sdelay $0x2  }
0xa3: {  	v1 =	vld [tilespmem:s4+$0x410];
	_ =	sdelay $0x5  }
0xa4: {  	v2 =	vpop (erf)  }
0xa5: {  	[tilespmem:$0x810] =	vst v2  }
0xa6: {  	[tilespmem:v1+s21+$0x0] =	vst.idx.add.f32.msk $0xffff, v2  }
0xa7: {  	v1 =	vld [tilespmem:$0xB020]  }
0xa8: {  	v2 =	vld [tilespmem:$0xB220];
	_ =	sdelay $0x4  }
0xa9: {  	v1 =	vadd.f32 v2, v1;
	_ =	sdelay $0x1  }
0xaa: {  	v1 =	vsub.f32 $0.0e+00, v1;
	_ =	sdelay $0x1  }
0xab: {  	v1 =	vmul.f32 $1.442695020e+00, v1;
	_ =	sdelay $0x1  }
0xac: {  	(erf) = vpow2.f32 v1;
	_ =	sdelay $0x8  }
0xad: {  	v1 =	vpop (erf)  }
0xae: {  	v1 =	vadd.f32 $1.000000000e+00, v1;
	_ =	sdelay $0x1  }
0xaf: {  	(erf) = vrcp.f32 v1;
	_ =	sdelay $0x8  }
0xb0: {  	v1 =	vpop (erf)  }
0xb1: {  	v1 =	vmul.f32 $1.442695020e+00, v1;
	_ =	sdelay $0x1  }
0xb2: {  	(erf) = vpow2.f32 v1;
	_ =	sdelay $0x2  }
0xb3: {  	v1 =	vld [tilespmem:s4+$0x420];
	_ =	sdelay $0x5  }
0xb4: {  	v2 =	vpop (erf)  }
0xb5: {  	[tilespmem:$0x820] =	vst v2  }
0xb6: {  	[tilespmem:v1+s21+$0x0] =	vst.idx.add.f32.msk $0xffff, v2  }
0xb7: {  	v1 =	vld [tilespmem:$0xB030]  }
0xb8: {  	v2 =	vld [tilespmem:$0xB230];
	_ =	sdelay $0x4  }
0xb9: {  	v1 =	vadd.f32 v2, v1;
	_ =	sdelay $0x1  }
0xba: {  	v1 =	vsub.f32 $0.0e+00, v1;
	_ =	sdelay $0x1  }
0xbb: {  	v1 =	vmul.f32 $1.442695020e+00, v1;
	_ =	sdelay $0x1  }
0xbc: {  	(erf) = vpow2.f32 v1;
	_ =	sdelay $0x8  }
0xbd: {  	v1 =	vpop (erf)  }
0xbe: {  	v1 =	vadd.f32 $1.000000000e+00, v1;
	_ =	sdelay $0x1  }
0xbf: {  	(erf) = vrcp.f32 v1;
	_ =	sdelay $0x8  }
0xc0: {  	v1 =	vpop (erf)  }
0xc1: {  	v1 =	vmul.f32 $1.442695020e+00, v1;
	_ =	sdelay $0x1  }
0xc2: {  	(erf) = vpow2.f32 v1;
	_ =	sdelay $0x2  }
0xc3: {  	v1 =	vld [tilespmem:s4+$0x430];
	_ =	sdelay $0x5  }
0xc4: {  	s15 =	simm.s32 $0x0;
	v2 =	vpop (erf)  }
0xc5: {  	v3 =	vmov s15;
	[tilespmem:$0x830] =	vst v2  }
0xc6: {  	s10 =	simm.s32 $0x3040;
	[tilespmem:v1+s21+$0x0] =	vst.idx.add.f32.msk $0xffff, v2  }
0xc7: {  	v5 =	vld [tilespmem:s10+$0x30]  }
0xc8: {  	v8 =	vld [tilespmem:s10+$0x10]  }
0xc9: {  	v6 =	vld [tilespmem:s10+$0xFFFFFFC0]  }
0xca: {  	v2 =	vld.idx.msk [tilespmem:v3+s22+$0x0], $0xffff  }
0xcb: {  	v10 =	vld [tilespmem:s10+$0xFFFFFFE0]  }
0xcc: {  	v1 =	vld [tilespmem:s10+$0xFFFFFFF0]  }
0xcd: {  	v3 =	vld [tilespmem:s10+$0x20]  }
0xce: {  	v4 =	vld [tilespmem:s10+$0xFFFFFFD0]  }
0xcf: {  	v9 =	vmul.f32 v5, v2;
	v5 =	vld [tilespmem:s10+$0x0]  }
0xd0: {  	p0 =	por p1, p1;
	v7 =	vmul.f32 v6, v2  }
0xd1: {  	s14 =	simm.s32 $0x1;
	s15 =	simm.s32 $0x3040;
	s13 =	sadd.s32 $0x400, s4;
	v6 =	vmul.f32 v10, v2;
	v8 =	vmul.f32 v8, v2  }
.LBB2_8:
0xd2: {  	p1 =	sne.s32 s14, $0x3F  }
0xd3: {  	v4 =	vmul.f32 v4, v2;
	v3 =	vmul.f32 v3, v2;
	[tilespmem:s10+$0x30] =	vst v9;
	s15 =	sadd.s32 $0x80, s15;
	s7 =	smov.u32 s14;
	s14 =	sadd.s32 $0x1, s14  }
0xd4: {  	[tilespmem:s10+$0xFFFFFFC0] =	vst v7;
	v7 =	vmul.f32 v1, v2;
	v2 =	vmul.f32 v5, v2  }
0xd5: {  	[tilespmem:s10+$0x10] =	vst v8  }
0xd6: {  	v5 =	vmov s7;
	[tilespmem:s10+$0xFFFFFFE0] =	vst v6  }
0xd7: {  	v1 =	vld [tilespmem:s15+$0xFFFFFFF0];
	[tilespmem:s10+$0xFFFFFFF0] =	vst v7  }
0xd8: {  	v6 =	vld [tilespmem:s15+$0x30];
	[tilespmem:s10+$0x0] =	vst v2  }
0xd9: {  	v8 =	vld [tilespmem:s15+$0x10];
	[tilespmem:s10+$0x20] =	vst v3  }
0xda: {  	v7 =	vld [tilespmem:s15+$0xFFFFFFC0];
	[tilespmem:s10+$0xFFFFFFD0] =	vst v4;
	s10 =	smov.u32 s15  }
0xdb: {  	v2 =	vld.idx.msk [tilespmem:v5+s22+$0x0], $0xffff  }
0xdc: {  	v10 =	vld [tilespmem:s15+$0xFFFFFFE0]  }
0xdd: {  	v3 =	vld [tilespmem:s15+$0x20]  }
.Ltmp2:
0xde: {  	v4 =	vld [tilespmem:s15+$0xFFFFFFD0];
	(pc) =	sbr.rel @p1 .LBB2_8-.Ltmp2, $3  }
0xdf: {  	v5 =	vld [tilespmem:s15+$0x0];
	_ =	sdelay $0x1  }
0xe0: {  	v7 =	vmul.f32 v7, v2;
	v9 =	vmul.f32 v6, v2  }
0xe1: {  	v8 =	vmul.f32 v8, v2;
	v6 =	vmul.f32 v10, v2  }
0xe2: {  	[tilespmem:s10+$0x30] =	vst v9  }
0xe3: {  	[tilespmem:s10+$0xFFFFFFC0] =	vst v7  }
0xe4: {  	v1 =	vmul.f32 v1, v2;
	[tilespmem:s10+$0x10] =	vst v8  }
0xe5: {  	v3 =	vmul.f32 v3, v2;
	[tilespmem:s10+$0xFFFFFFE0] =	vst v6  }
0xe6: {  	v5 =	vmul.f32 v5, v2;
	[tilespmem:s10+$0xFFFFFFF0] =	vst v1  }
0xe7: {  	v1 =	vmul.f32 v4, v2;
	[tilespmem:s10+$0x20] =	vst v3  }
0xe8: {  	[tilespmem:s10+$0x0] =	vst v5  }
0xe9: {  	[tilespmem:s10+$0xFFFFFFD0] =	vst v1  }
0xea: {  	[spmem:s2] =	stream.indirect.scatter.add.f32 [tilespmem:s23], [sflag:$0x5], $0x80, s13, s26, $0xb8;
	[tilespmem:$0x1F000] =	vst v63  }
0xeb: {  	_ =	swait.ge [sflag:s24], $0x2000  }
0xec: {  	s7 =	simm.s32 @p0 $0x40;
	[sflag:s24] =	ssyncset.done $0x0  }
0xed: {  	s10 =	simm.s32 @p0 $0x200;
	s13 =	simm.s32 @p0 $0x3000;
	[sflag:s24] =	ssyncadd.s32 $0xFFFFE000  }
0xee: {  	[tilespmem:s13], [sflag:$0x1] =	stream.indirect.gather @p0 [hbm4b:s1+s7], $0x80, s10, s7, $0xb8;
	[tilespmem:$0x1F000] =	vst v63  }
0xef: {  	s13 =	simm.s32 @p0 $0xB000  }
0xf0: {  	[tilespmem:s13], [sflag:$0x1] =	stream.indirect.gather @p0 [hbm4b:s5+s7], $0x1, s10, s7, $0xb8;
	[tilespmem:$0x1F000] =	vst v63  }
0xf1: {  	s10 =	simm.s32 @p0 $0x600;
	s13 =	simm.s32 @p0 $0xB200  }
0xf2: {  	[tilespmem:s13], [sflag:$0x1] =	stream.indirect.gather @p0 [hbm4b:s6+s7], $0x1, s10, s7, $0xb8;
	[tilespmem:$0x1F000] =	vst v63  }
0xf3: {  	_ =	swait.ge [sflag:s9], $0x2000  }
0xf4: {  	[sflag:s9] =	ssyncset.done $0x0  }
0xf5: {  	[sflag:s9] =	ssyncadd.s32 $0xFFFFE000  }
0xf6: {  	_ =	swait.ge [sflag:s9], $0x40  }
0xf7: {  	[sflag:s9] =	ssyncset.done $0x0  }
0xf8: {  	[sflag:s9] =	ssyncadd.s32 $0xFFFFFFC0  }
0xf9: {  	_ =	swait.ge [sflag:s9], $0x40  }
0xfa: {  	[sflag:s9] =	ssyncset.done $0x0  }
0xfb: {  	[sflag:s9] =	ssyncadd.s32 $0xFFFFFFC0  }
0xfc: {  	v1 =	vld [tilespmem:$0xB080]  }
0xfd: {  	v2 =	vld [tilespmem:$0xB280];
	_ =	sdelay $0x4  }
0xfe: {  	v1 =	vadd.f32 v2, v1;
	_ =	sdelay $0x1  }
0xff: {  	v1 =	vsub.f32 $0.0e+00, v1;
	_ =	sdelay $0x1  }
0x100: {  	v1 =	vmul.f32 $1.442695020e+00, v1;
	_ =	sdelay $0x1  }
0x101: {  	(erf) = vpow2.f32 v1;
	_ =	sdelay $0x8  }
0x102: {  	v1 =	vpop (erf)  }
0x103: {  	v1 =	vadd.f32 $1.000000000e+00, v1;
	_ =	sdelay $0x1  }
0x104: {  	(erf) = vrcp.f32 v1;
	_ =	sdelay $0x8  }
0x105: {  	v1 =	vpop (erf)  }
0x106: {  	v1 =	vmul.f32 $1.442695020e+00, v1;
	_ =	sdelay $0x1  }
0x107: {  	(erf) = vpow2.f32 v1;
	_ =	sdelay $0x2  }
0x108: {  	v1 =	vld [tilespmem:s4+$0x480];
	_ =	sdelay $0x5  }
0x109: {  	v2 =	vpop (erf)  }
0x10a: {  	[tilespmem:$0x800] =	vst v2  }
0x10b: {  	[tilespmem:v1+s21+$0x0] =	vst.idx.add.f32.msk $0xffff, v2  }
0x10c: {  	v1 =	vld [tilespmem:$0xB090]  }
0x10d: {  	v2 =	vld [tilespmem:$0xB290];
	_ =	sdelay $0x4  }
0x10e: {  	v1 =	vadd.f32 v2, v1;
	_ =	sdelay $0x1  }
0x10f: {  	v1 =	vsub.f32 $0.0e+00, v1;
	_ =	sdelay $0x1  }
0x110: {  	v1 =	vmul.f32 $1.442695020e+00, v1;
	_ =	sdelay $0x1  }
0x111: {  	(erf) = vpow2.f32 v1;
	_ =	sdelay $0x8  }
0x112: {  	v1 =	vpop (erf)  }
0x113: {  	v1 =	vadd.f32 $1.000000000e+00, v1;
	_ =	sdelay $0x1  }
0x114: {  	(erf) = vrcp.f32 v1;
	_ =	sdelay $0x8  }
0x115: {  	v1 =	vpop (erf)  }
0x116: {  	v1 =	vmul.f32 $1.442695020e+00, v1;
	_ =	sdelay $0x1  }
0x117: {  	(erf) = vpow2.f32 v1;
	_ =	sdelay $0x2  }
0x118: {  	v1 =	vld [tilespmem:s4+$0x490];
	_ =	sdelay $0x5  }
0x119: {  	v2 =	vpop (erf)  }
0x11a: {  	[tilespmem:$0x810] =	vst v2  }
0x11b: {  	[tilespmem:v1+s21+$0x0] =	vst.idx.add.f32.msk $0xffff, v2  }
0x11c: {  	v1 =	vld [tilespmem:$0xB0A0]  }
0x11d: {  	v2 =	vld [tilespmem:$0xB2A0];
	_ =	sdelay $0x4  }
0x11e: {  	v1 =	vadd.f32 v2, v1;
	_ =	sdelay $0x1  }
0x11f: {  	v1 =	vsub.f32 $0.0e+00, v1;
	_ =	sdelay $0x1  }
0x120: {  	v1 =	vmul.f32 $1.442695020e+00, v1;
	_ =	sdelay $0x1  }
0x121: {  	(erf) = vpow2.f32 v1;
	_ =	sdelay $0x8  }
0x122: {  	v1 =	vpop (erf)  }
0x123: {  	v1 =	vadd.f32 $1.000000000e+00, v1;
	_ =	sdelay $0x1  }
0x124: {  	(erf) = vrcp.f32 v1;
	_ =	sdelay $0x8  }
0x125: {  	v1 =	vpop (erf)  }
0x126: {  	v1 =	vmul.f32 $1.442695020e+00, v1;
	_ =	sdelay $0x1  }
0x127: {  	(erf) = vpow2.f32 v1;
	_ =	sdelay $0x2  }
0x128: {  	v1 =	vld [tilespmem:s4+$0x4A0];
	_ =	sdelay $0x5  }
0x129: {  	v2 =	vpop (erf)  }
0x12a: {  	[tilespmem:$0x820] =	vst v2  }
0x12b: {  	[tilespmem:v1+s21+$0x0] =	vst.idx.add.f32.msk $0xffff, v2  }
0x12c: {  	v1 =	vld [tilespmem:$0xB0B0]  }
0x12d: {  	v2 =	vld [tilespmem:$0xB2B0];
	_ =	sdelay $0x4  }
0x12e: {  	v1 =	vadd.f32 v2, v1;
	_ =	sdelay $0x1  }
0x12f: {  	v1 =	vsub.f32 $0.0e+00, v1;
	_ =	sdelay $0x1  }
0x130: {  	v1 =	vmul.f32 $1.442695020e+00, v1;
	_ =	sdelay $0x1  }
0x131: {  	(erf) = vpow2.f32 v1;
	_ =	sdelay $0x8  }
0x132: {  	v1 =	vpop (erf)  }
0x133: {  	v1 =	vadd.f32 $1.000000000e+00, v1;
	_ =	sdelay $0x1  }
0x134: {  	(erf) = vrcp.f32 v1;
	_ =	sdelay $0x8  }
0x135: {  	v1 =	vpop (erf)  }
0x136: {  	v1 =	vmul.f32 $1.442695020e+00, v1;
	_ =	sdelay $0x1  }
0x137: {  	(erf) = vpow2.f32 v1;
	_ =	sdelay $0x2  }
0x138: {  	v1 =	vld [tilespmem:s4+$0x4B0];
	_ =	sdelay $0x5  }
0x139: {  	s15 =	simm.s32 $0x0;
	v2 =	vpop (erf)  }
0x13a: {  	v3 =	vmov s15;
	[tilespmem:$0x830] =	vst v2  }
0x13b: {  	s10 =	simm.s32 $0x5040;
	[tilespmem:v1+s21+$0x0] =	vst.idx.add.f32.msk $0xffff, v2  }
0x13c: {  	v5 =	vld [tilespmem:s10+$0x30]  }
0x13d: {  	v8 =	vld [tilespmem:s10+$0x10]  }
0x13e: {  	v6 =	vld [tilespmem:s10+$0xFFFFFFC0]  }
0x13f: {  	v2 =	vld.idx.msk [tilespmem:v3+s22+$0x0], $0xffff  }
0x140: {  	v10 =	vld [tilespmem:s10+$0xFFFFFFE0]  }
0x141: {  	v1 =	vld [tilespmem:s10+$0xFFFFFFF0]  }
0x142: {  	v3 =	vld [tilespmem:s10+$0x20]  }
0x143: {  	v4 =	vld [tilespmem:s10+$0xFFFFFFD0]  }
0x144: {  	v9 =	vmul.f32 v5, v2;
	v5 =	vld [tilespmem:s10+$0x0]  }
0x145: {  	v7 =	vmul.f32 v6, v2  }
0x146: {  	s14 =	simm.s32 $0x1;
	s15 =	simm.s32 $0x5040;
	s13 =	sadd.s32 $0x480, s4;
	v6 =	vmul.f32 v10, v2;
	v8 =	vmul.f32 v8, v2  }
.LBB2_10:
0x147: {  	p1 =	sne.s32 s14, $0x3F  }
0x148: {  	v4 =	vmul.f32 v4, v2;
	v3 =	vmul.f32 v3, v2;
	[tilespmem:s10+$0x30] =	vst v9;
	s15 =	sadd.s32 $0x80, s15;
	s7 =	smov.u32 s14;
	s14 =	sadd.s32 $0x1, s14  }
0x149: {  	[tilespmem:s10+$0xFFFFFFC0] =	vst v7;
	v7 =	vmul.f32 v1, v2;
	v2 =	vmul.f32 v5, v2  }
0x14a: {  	[tilespmem:s10+$0x10] =	vst v8  }
0x14b: {  	v5 =	vmov s7;
	[tilespmem:s10+$0xFFFFFFE0] =	vst v6  }
0x14c: {  	v1 =	vld [tilespmem:s15+$0xFFFFFFF0];
	[tilespmem:s10+$0xFFFFFFF0] =	vst v7  }
0x14d: {  	v6 =	vld [tilespmem:s15+$0x30];
	[tilespmem:s10+$0x0] =	vst v2  }
0x14e: {  	v8 =	vld [tilespmem:s15+$0x10];
	[tilespmem:s10+$0x20] =	vst v3  }
0x14f: {  	v7 =	vld [tilespmem:s15+$0xFFFFFFC0];
	[tilespmem:s10+$0xFFFFFFD0] =	vst v4;
	s10 =	smov.u32 s15  }
0x150: {  	v2 =	vld.idx.msk [tilespmem:v5+s22+$0x0], $0xffff  }
0x151: {  	v10 =	vld [tilespmem:s15+$0xFFFFFFE0]  }
0x152: {  	v3 =	vld [tilespmem:s15+$0x20]  }
.Ltmp3:
0x153: {  	v4 =	vld [tilespmem:s15+$0xFFFFFFD0];
	(pc) =	sbr.rel @p1 .LBB2_10-.Ltmp3, $3  }
0x154: {  	v5 =	vld [tilespmem:s15+$0x0];
	_ =	sdelay $0x1  }
0x155: {  	v7 =	vmul.f32 v7, v2;
	v9 =	vmul.f32 v6, v2  }
0x156: {  	v8 =	vmul.f32 v8, v2;
	v6 =	vmul.f32 v10, v2  }
0x157: {  	[tilespmem:s10+$0x30] =	vst v9  }
0x158: {  	[tilespmem:s10+$0xFFFFFFC0] =	vst v7  }
0x159: {  	v1 =	vmul.f32 v1, v2;
	[tilespmem:s10+$0x10] =	vst v8  }
0x15a: {  	v3 =	vmul.f32 v3, v2;
	[tilespmem:s10+$0xFFFFFFE0] =	vst v6  }
0x15b: {  	v5 =	vmul.f32 v5, v2;
	[tilespmem:s10+$0xFFFFFFF0] =	vst v1  }
0x15c: {  	v1 =	vmul.f32 v4, v2;
	[tilespmem:s10+$0x20] =	vst v3  }
0x15d: {  	[tilespmem:s10+$0x0] =	vst v5  }
0x15e: {  	[tilespmem:s10+$0xFFFFFFD0] =	vst v1  }
0x15f: {  	[spmem:s2] =	stream.indirect.scatter.add.f32 [tilespmem:s31], [sflag:$0x5], $0x80, s13, s26, $0xb8;
	[tilespmem:$0x1F000] =	vst v63  }
0x160: {  	_ =	swait.ge [sflag:s24], $0x2000  }
0x161: {  	s7 =	simm.s32 @p0 $0x40;
	[sflag:s24] =	ssyncset.done $0x0  }
0x162: {  	s10 =	simm.s32 @p0 $0x280;
	s13 =	simm.s32 @p0 $0x5000;
	[sflag:s24] =	ssyncadd.s32 $0xFFFFE000  }
0x163: {  	[tilespmem:s13], [sflag:$0x2] =	stream.indirect.gather @p0 [hbm4b:s1+s7], $0x80, s10, s7, $0xb8;
	[tilespmem:$0x1F000] =	vst v63  }
0x164: {  	s13 =	simm.s32 @p0 $0xB080  }
0x165: {  	[tilespmem:s13], [sflag:$0x2] =	stream.indirect.gather @p0 [hbm4b:s5+s7], $0x1, s10, s7, $0xb8;
	[tilespmem:$0x1F000] =	vst v63  }
0x166: {  	s10 =	simm.s32 @p0 $0x680;
	s13 =	simm.s32 @p0 $0xB280  }
0x167: {  	[tilespmem:s13], [sflag:$0x2] =	stream.indirect.gather @p0 [hbm4b:s6+s7], $0x1, s10, s7, $0xb8;
	[tilespmem:$0x1F000] =	vst v63  }
0x168: {  	_ =	swait.ge [sflag:s3], $0x2000  }
0x169: {  	[sflag:s3] =	ssyncset.done $0x0  }
0x16a: {  	[sflag:s3] =	ssyncadd.s32 $0xFFFFE000  }
0x16b: {  	_ =	swait.ge [sflag:s3], $0x40  }
0x16c: {  	[sflag:s3] =	ssyncset.done $0x0  }
0x16d: {  	[sflag:s3] =	ssyncadd.s32 $0xFFFFFFC0  }
0x16e: {  	_ =	swait.ge [sflag:s3], $0x40  }
0x16f: {  	[sflag:s3] =	ssyncset.done $0x0  }
0x170: {  	[sflag:s3] =	ssyncadd.s32 $0xFFFFFFC0  }
0x171: {  	v1 =	vld [tilespmem:$0xB100]  }
0x172: {  	v2 =	vld [tilespmem:$0xB300];
	_ =	sdelay $0x4  }
0x173: {  	v1 =	vadd.f32 v2, v1;
	_ =	sdelay $0x1  }
0x174: {  	v1 =	vsub.f32 $0.0e+00, v1;
	_ =	sdelay $0x1  }
0x175: {  	v1 =	vmul.f32 $1.442695020e+00, v1;
	_ =	sdelay $0x1  }
0x176: {  	(erf) = vpow2.f32 v1;
	_ =	sdelay $0x8  }
0x177: {  	v1 =	vpop (erf)  }
0x178: {  	v1 =	vadd.f32 $1.000000000e+00, v1;
	_ =	sdelay $0x1  }
0x179: {  	(erf) = vrcp.f32 v1;
	_ =	sdelay $0x8  }
0x17a: {  	v1 =	vpop (erf)  }
0x17b: {  	v1 =	vmul.f32 $1.442695020e+00, v1;
	_ =	sdelay $0x1  }
0x17c: {  	(erf) = vpow2.f32 v1;
	_ =	sdelay $0x2  }
0x17d: {  	v1 =	vld [tilespmem:s4+$0x500];
	_ =	sdelay $0x5  }
0x17e: {  	v2 =	vpop (erf)  }
0x17f: {  	[tilespmem:$0x800] =	vst v2  }
0x180: {  	[tilespmem:v1+s21+$0x0] =	vst.idx.add.f32.msk $0xffff, v2  }
0x181: {  	v1 =	vld [tilespmem:$0xB110]  }
0x182: {  	v2 =	vld [tilespmem:$0xB310];
	_ =	sdelay $0x4  }
0x183: {  	v1 =	vadd.f32 v2, v1;
	_ =	sdelay $0x1  }
0x184: {  	v1 =	vsub.f32 $0.0e+00, v1;
	_ =	sdelay $0x1  }
0x185: {  	v1 =	vmul.f32 $1.442695020e+00, v1;
	_ =	sdelay $0x1  }
0x186: {  	(erf) = vpow2.f32 v1;
	_ =	sdelay $0x8  }
0x187: {  	v1 =	vpop (erf)  }
0x188: {  	v1 =	vadd.f32 $1.000000000e+00, v1;
	_ =	sdelay $0x1  }
0x189: {  	(erf) = vrcp.f32 v1;
	_ =	sdelay $0x8  }
0x18a: {  	v1 =	vpop (erf)  }
0x18b: {  	v1 =	vmul.f32 $1.442695020e+00, v1;
	_ =	sdelay $0x1  }
0x18c: {  	(erf) = vpow2.f32 v1;
	_ =	sdelay $0x2  }
0x18d: {  	v1 =	vld [tilespmem:s4+$0x510];
	_ =	sdelay $0x5  }
0x18e: {  	v2 =	vpop (erf)  }
0x18f: {  	[tilespmem:$0x810] =	vst v2  }
0x190: {  	[tilespmem:v1+s21+$0x0] =	vst.idx.add.f32.msk $0xffff, v2  }
0x191: {  	v1 =	vld [tilespmem:$0xB120]  }
0x192: {  	v2 =	vld [tilespmem:$0xB320];
	_ =	sdelay $0x4  }
0x193: {  	v1 =	vadd.f32 v2, v1;
	_ =	sdelay $0x1  }
0x194: {  	v1 =	vsub.f32 $0.0e+00, v1;
	_ =	sdelay $0x1  }
0x195: {  	v1 =	vmul.f32 $1.442695020e+00, v1;
	_ =	sdelay $0x1  }
0x196: {  	(erf) = vpow2.f32 v1;
	_ =	sdelay $0x8  }
0x197: {  	v1 =	vpop (erf)  }
0x198: {  	v1 =	vadd.f32 $1.000000000e+00, v1;
	_ =	sdelay $0x1  }
0x199: {  	(erf) = vrcp.f32 v1;
	_ =	sdelay $0x8  }
0x19a: {  	v1 =	vpop (erf)  }
0x19b: {  	v1 =	vmul.f32 $1.442695020e+00, v1;
	_ =	sdelay $0x1  }
0x19c: {  	(erf) = vpow2.f32 v1;
	_ =	sdelay $0x2  }
0x19d: {  	v1 =	vld [tilespmem:s4+$0x520];
	_ =	sdelay $0x5  }
0x19e: {  	v2 =	vpop (erf)  }
0x19f: {  	[tilespmem:$0x820] =	vst v2  }
0x1a0: {  	[tilespmem:v1+s21+$0x0] =	vst.idx.add.f32.msk $0xffff, v2  }
0x1a1: {  	v1 =	vld [tilespmem:$0xB130]  }
0x1a2: {  	v2 =	vld [tilespmem:$0xB330];
	_ =	sdelay $0x4  }
0x1a3: {  	v1 =	vadd.f32 v2, v1;
	_ =	sdelay $0x1  }
0x1a4: {  	v1 =	vsub.f32 $0.0e+00, v1;
	_ =	sdelay $0x1  }
0x1a5: {  	v1 =	vmul.f32 $1.442695020e+00, v1;
	_ =	sdelay $0x1  }
0x1a6: {  	(erf) = vpow2.f32 v1;
	_ =	sdelay $0x8  }
0x1a7: {  	v1 =	vpop (erf)  }
0x1a8: {  	v1 =	vadd.f32 $1.000000000e+00, v1;
	_ =	sdelay $0x1  }
0x1a9: {  	(erf) = vrcp.f32 v1;
	_ =	sdelay $0x8  }
0x1aa: {  	v1 =	vpop (erf)  }
0x1ab: {  	v1 =	vmul.f32 $1.442695020e+00, v1;
	_ =	sdelay $0x1  }
0x1ac: {  	(erf) = vpow2.f32 v1;
	_ =	sdelay $0x2  }
0x1ad: {  	v1 =	vld [tilespmem:s4+$0x530];
	_ =	sdelay $0x5  }
0x1ae: {  	s15 =	simm.s32 $0x0;
	v2 =	vpop (erf)  }
0x1af: {  	v3 =	vmov s15;
	[tilespmem:$0x830] =	vst v2  }
0x1b0: {  	s10 =	simm.s32 $0x7040;
	[tilespmem:v1+s21+$0x0] =	vst.idx.add.f32.msk $0xffff, v2  }
0x1b1: {  	v5 =	vld [tilespmem:s10+$0x30]  }
0x1b2: {  	v8 =	vld [tilespmem:s10+$0x10]  }
0x1b3: {  	v6 =	vld [tilespmem:s10+$0xFFFFFFC0]  }
0x1b4: {  	v2 =	vld.idx.msk [tilespmem:v3+s22+$0x0], $0xffff  }
0x1b5: {  	v10 =	vld [tilespmem:s10+$0xFFFFFFE0]  }
0x1b6: {  	v1 =	vld [tilespmem:s10+$0xFFFFFFF0]  }
0x1b7: {  	v3 =	vld [tilespmem:s10+$0x20]  }
0x1b8: {  	v4 =	vld [tilespmem:s10+$0xFFFFFFD0]  }
0x1b9: {  	v9 =	vmul.f32 v5, v2;
	v5 =	vld [tilespmem:s10+$0x0]  }
0x1ba: {  	v7 =	vmul.f32 v6, v2  }
0x1bb: {  	s14 =	simm.s32 $0x1;
	s15 =	simm.s32 $0x7040;
	s13 =	sadd.s32 $0x500, s4;
	v6 =	vmul.f32 v10, v2;
	v8 =	vmul.f32 v8, v2  }
.LBB2_12:
0x1bc: {  	p1 =	sne.s32 s14, $0x3F  }
0x1bd: {  	v4 =	vmul.f32 v4, v2;
	v3 =	vmul.f32 v3, v2;
	[tilespmem:s10+$0x30] =	vst v9;
	s15 =	sadd.s32 $0x80, s15;
	s7 =	smov.u32 s14;
	s14 =	sadd.s32 $0x1, s14  }
0x1be: {  	[tilespmem:s10+$0xFFFFFFC0] =	vst v7;
	v7 =	vmul.f32 v1, v2;
	v2 =	vmul.f32 v5, v2  }
0x1bf: {  	[tilespmem:s10+$0x10] =	vst v8  }
0x1c0: {  	v5 =	vmov s7;
	[tilespmem:s10+$0xFFFFFFE0] =	vst v6  }
0x1c1: {  	v1 =	vld [tilespmem:s15+$0xFFFFFFF0];
	[tilespmem:s10+$0xFFFFFFF0] =	vst v7  }
0x1c2: {  	v6 =	vld [tilespmem:s15+$0x30];
	[tilespmem:s10+$0x0] =	vst v2  }
0x1c3: {  	v8 =	vld [tilespmem:s15+$0x10];
	[tilespmem:s10+$0x20] =	vst v3  }
0x1c4: {  	v7 =	vld [tilespmem:s15+$0xFFFFFFC0];
	[tilespmem:s10+$0xFFFFFFD0] =	vst v4;
	s10 =	smov.u32 s15  }
0x1c5: {  	v2 =	vld.idx.msk [tilespmem:v5+s22+$0x0], $0xffff  }
0x1c6: {  	v10 =	vld [tilespmem:s15+$0xFFFFFFE0]  }
0x1c7: {  	v3 =	vld [tilespmem:s15+$0x20]  }
.Ltmp4:
0x1c8: {  	v4 =	vld [tilespmem:s15+$0xFFFFFFD0];
	(pc) =	sbr.rel @p1 .LBB2_12-.Ltmp4, $3  }
0x1c9: {  	v5 =	vld [tilespmem:s15+$0x0];
	_ =	sdelay $0x1  }
0x1ca: {  	v7 =	vmul.f32 v7, v2;
	v9 =	vmul.f32 v6, v2  }
0x1cb: {  	v8 =	vmul.f32 v8, v2;
	v6 =	vmul.f32 v10, v2  }
0x1cc: {  	[tilespmem:s10+$0x30] =	vst v9  }
0x1cd: {  	[tilespmem:s10+$0xFFFFFFC0] =	vst v7  }
0x1ce: {  	v1 =	vmul.f32 v1, v2;
	[tilespmem:s10+$0x10] =	vst v8  }
0x1cf: {  	v3 =	vmul.f32 v3, v2;
	[tilespmem:s10+$0xFFFFFFE0] =	vst v6  }
0x1d0: {  	v5 =	vmul.f32 v5, v2;
	[tilespmem:s10+$0xFFFFFFF0] =	vst v1  }
0x1d1: {  	v1 =	vmul.f32 v4, v2;
	[tilespmem:s10+$0x20] =	vst v3  }
0x1d2: {  	[tilespmem:s10+$0x0] =	vst v5  }
0x1d3: {  	[tilespmem:s10+$0xFFFFFFD0] =	vst v1  }
0x1d4: {  	[spmem:s2] =	stream.indirect.scatter.add.f32 [tilespmem:s12], [sflag:$0x5], $0x80, s13, s26, $0xb8;
	[tilespmem:$0x1F000] =	vst v63  }
0x1d5: {  	_ =	swait.ge [sflag:s24], $0x2000  }
0x1d6: {  	s7 =	simm.s32 @p0 $0x40;
	[sflag:s24] =	ssyncset.done $0x0  }
0x1d7: {  	s10 =	simm.s32 @p0 $0x300;
	s13 =	simm.s32 @p0 $0x7000;
	[sflag:s24] =	ssyncadd.s32 $0xFFFFE000  }
0x1d8: {  	[tilespmem:s13], [sflag:$0x3] =	stream.indirect.gather @p0 [hbm4b:s1+s7], $0x80, s10, s7, $0xb8;
	[tilespmem:$0x1F000] =	vst v63  }
0x1d9: {  	s13 =	simm.s32 @p0 $0xB100  }
0x1da: {  	[tilespmem:s13], [sflag:$0x3] =	stream.indirect.gather @p0 [hbm4b:s5+s7], $0x1, s10, s7, $0xb8;
	[tilespmem:$0x1F000] =	vst v63  }
0x1db: {  	s10 =	simm.s32 @p0 $0x700;
	s13 =	simm.s32 @p0 $0xB300  }
0x1dc: {  	[tilespmem:s13], [sflag:$0x3] =	stream.indirect.gather @p0 [hbm4b:s6+s7], $0x1, s10, s7, $0xb8;
	[tilespmem:$0x1F000] =	vst v63  }
0x1dd: {  	_ =	swait.ge [sflag:s28], $0x2000  }
0x1de: {  	[sflag:s28] =	ssyncset.done $0x0  }
0x1df: {  	[sflag:s28] =	ssyncadd.s32 $0xFFFFE000  }
0x1e0: {  	_ =	swait.ge [sflag:s28], $0x40  }
0x1e1: {  	[sflag:s28] =	ssyncset.done $0x0  }
0x1e2: {  	[sflag:s28] =	ssyncadd.s32 $0xFFFFFFC0  }
0x1e3: {  	_ =	swait.ge [sflag:s28], $0x40  }
0x1e4: {  	[sflag:s28] =	ssyncset.done $0x0  }
0x1e5: {  	[sflag:s28] =	ssyncadd.s32 $0xFFFFFFC0  }
0x1e6: {  	v1 =	vld [tilespmem:$0xB180]  }
0x1e7: {  	v2 =	vld [tilespmem:$0xB380];
	_ =	sdelay $0x4  }
0x1e8: {  	v1 =	vadd.f32 v2, v1;
	_ =	sdelay $0x1  }
0x1e9: {  	v1 =	vsub.f32 $0.0e+00, v1;
	_ =	sdelay $0x1  }
0x1ea: {  	v1 =	vmul.f32 $1.442695020e+00, v1;
	_ =	sdelay $0x1  }
0x1eb: {  	(erf) = vpow2.f32 v1;
	_ =	sdelay $0x8  }
0x1ec: {  	v1 =	vpop (erf)  }
0x1ed: {  	v1 =	vadd.f32 $1.000000000e+00, v1;
	_ =	sdelay $0x1  }
0x1ee: {  	(erf) = vrcp.f32 v1;
	_ =	sdelay $0x8  }
0x1ef: {  	v1 =	vpop (erf)  }
0x1f0: {  	v1 =	vmul.f32 $1.442695020e+00, v1;
	_ =	sdelay $0x1  }
0x1f1: {  	(erf) = vpow2.f32 v1;
	_ =	sdelay $0x2  }
0x1f2: {  	v1 =	vld [tilespmem:s4+$0x580];
	_ =	sdelay $0x5  }
0x1f3: {  	v2 =	vpop (erf)  }
0x1f4: {  	[tilespmem:$0x800] =	vst v2  }
0x1f5: {  	[tilespmem:v1+s21+$0x0] =	vst.idx.add.f32.msk $0xffff, v2  }
0x1f6: {  	v1 =	vld [tilespmem:$0xB190]  }
0x1f7: {  	v2 =	vld [tilespmem:$0xB390];
	_ =	sdelay $0x4  }
0x1f8: {  	v1 =	vadd.f32 v2, v1;
	_ =	sdelay $0x1  }
0x1f9: {  	v1 =	vsub.f32 $0.0e+00, v1;
	_ =	sdelay $0x1  }
0x1fa: {  	v1 =	vmul.f32 $1.442695020e+00, v1;
	_ =	sdelay $0x1  }
0x1fb: {  	(erf) = vpow2.f32 v1;
	_ =	sdelay $0x8  }
0x1fc: {  	v1 =	vpop (erf)  }
0x1fd: {  	v1 =	vadd.f32 $1.000000000e+00, v1;
	_ =	sdelay $0x1  }
0x1fe: {  	(erf) = vrcp.f32 v1;
	_ =	sdelay $0x8  }
0x1ff: {  	v1 =	vpop (erf)  }
0x200: {  	v1 =	vmul.f32 $1.442695020e+00, v1;
	_ =	sdelay $0x1  }
0x201: {  	(erf) = vpow2.f32 v1;
	_ =	sdelay $0x2  }
0x202: {  	v1 =	vld [tilespmem:s4+$0x590];
	_ =	sdelay $0x5  }
0x203: {  	v2 =	vpop (erf)  }
0x204: {  	[tilespmem:$0x810] =	vst v2  }
0x205: {  	[tilespmem:v1+s21+$0x0] =	vst.idx.add.f32.msk $0xffff, v2  }
0x206: {  	v1 =	vld [tilespmem:$0xB1A0]  }
0x207: {  	v2 =	vld [tilespmem:$0xB3A0];
	_ =	sdelay $0x4  }
0x208: {  	v1 =	vadd.f32 v2, v1;
	_ =	sdelay $0x1  }
0x209: {  	v1 =	vsub.f32 $0.0e+00, v1;
	_ =	sdelay $0x1  }
0x20a: {  	v1 =	vmul.f32 $1.442695020e+00, v1;
	_ =	sdelay $0x1  }
0x20b: {  	(erf) = vpow2.f32 v1;
	_ =	sdelay $0x8  }
0x20c: {  	v1 =	vpop (erf)  }
0x20d: {  	v1 =	vadd.f32 $1.000000000e+00, v1;
	_ =	sdelay $0x1  }
0x20e: {  	(erf) = vrcp.f32 v1;
	_ =	sdelay $0x8  }
0x20f: {  	v1 =	vpop (erf)  }
0x210: {  	v1 =	vmul.f32 $1.442695020e+00, v1;
	_ =	sdelay $0x1  }
0x211: {  	(erf) = vpow2.f32 v1;
	_ =	sdelay $0x2  }
0x212: {  	v1 =	vld [tilespmem:s4+$0x5A0];
	_ =	sdelay $0x5  }
0x213: {  	v2 =	vpop (erf)  }
0x214: {  	[tilespmem:$0x820] =	vst v2  }
0x215: {  	[tilespmem:v1+s21+$0x0] =	vst.idx.add.f32.msk $0xffff, v2  }
0x216: {  	v1 =	vld [tilespmem:$0xB1B0]  }
0x217: {  	v2 =	vld [tilespmem:$0xB3B0];
	_ =	sdelay $0x4  }
0x218: {  	v1 =	vadd.f32 v2, v1;
	_ =	sdelay $0x1  }
0x219: {  	v1 =	vsub.f32 $0.0e+00, v1;
	_ =	sdelay $0x1  }
0x21a: {  	v1 =	vmul.f32 $1.442695020e+00, v1;
	_ =	sdelay $0x1  }
0x21b: {  	(erf) = vpow2.f32 v1;
	_ =	sdelay $0x8  }
0x21c: {  	v1 =	vpop (erf)  }
0x21d: {  	v1 =	vadd.f32 $1.000000000e+00, v1;
	_ =	sdelay $0x1  }
0x21e: {  	(erf) = vrcp.f32 v1;
	_ =	sdelay $0x8  }
0x21f: {  	v1 =	vpop (erf)  }
0x220: {  	v1 =	vmul.f32 $1.442695020e+00, v1;
	_ =	sdelay $0x1  }
0x221: {  	(erf) = vpow2.f32 v1;
	_ =	sdelay $0x2  }
0x222: {  	v1 =	vld [tilespmem:s4+$0x5B0];
	_ =	sdelay $0x5  }
0x223: {  	s15 =	simm.s32 $0x0;
	v2 =	vpop (erf)  }
0x224: {  	v3 =	vmov s15;
	[tilespmem:$0x830] =	vst v2  }
0x225: {  	s10 =	simm.s32 $0x9040;
	[tilespmem:v1+s21+$0x0] =	vst.idx.add.f32.msk $0xffff, v2  }
0x226: {  	v5 =	vld [tilespmem:s10+$0x30]  }
0x227: {  	v8 =	vld [tilespmem:s10+$0x10]  }
0x228: {  	v6 =	vld [tilespmem:s10+$0xFFFFFFC0]  }
0x229: {  	v2 =	vld.idx.msk [tilespmem:v3+s22+$0x0], $0xffff  }
0x22a: {  	v10 =	vld [tilespmem:s10+$0xFFFFFFE0]  }
0x22b: {  	v1 =	vld [tilespmem:s10+$0xFFFFFFF0]  }
0x22c: {  	v3 =	vld [tilespmem:s10+$0x20]  }
0x22d: {  	v4 =	vld [tilespmem:s10+$0xFFFFFFD0]  }
0x22e: {  	v9 =	vmul.f32 v5, v2;
	v5 =	vld [tilespmem:s10+$0x0]  }
0x22f: {  	v7 =	vmul.f32 v6, v2  }
0x230: {  	s14 =	simm.s32 $0x9040;
	s13 =	simm.s32 $0x1;
	s4 =	sadd.s32 $0x580, s4;
	v6 =	vmul.f32 v10, v2;
	v8 =	vmul.f32 v8, v2  }
.LBB2_14:
0x231: {  	p1 =	sne.s32 s13, $0x3F  }
0x232: {  	v4 =	vmul.f32 v4, v2;
	v3 =	vmul.f32 v3, v2;
	[tilespmem:s10+$0x30] =	vst v9;
	s14 =	sadd.s32 $0x80, s14;
	s7 =	smov.u32 s13;
	s13 =	sadd.s32 $0x1, s13  }
0x233: {  	[tilespmem:s10+$0xFFFFFFC0] =	vst v7;
	v7 =	vmul.f32 v1, v2;
	v2 =	vmul.f32 v5, v2  }
0x234: {  	[tilespmem:s10+$0x10] =	vst v8  }
0x235: {  	v5 =	vmov s7;
	[tilespmem:s10+$0xFFFFFFE0] =	vst v6  }
0x236: {  	v1 =	vld [tilespmem:s14+$0xFFFFFFF0];
	[tilespmem:s10+$0xFFFFFFF0] =	vst v7  }
0x237: {  	v6 =	vld [tilespmem:s14+$0x30];
	[tilespmem:s10+$0x0] =	vst v2  }
0x238: {  	v8 =	vld [tilespmem:s14+$0x10];
	[tilespmem:s10+$0x20] =	vst v3  }
0x239: {  	v7 =	vld [tilespmem:s14+$0xFFFFFFC0];
	[tilespmem:s10+$0xFFFFFFD0] =	vst v4;
	s10 =	smov.u32 s14  }
0x23a: {  	v2 =	vld.idx.msk [tilespmem:v5+s22+$0x0], $0xffff  }
0x23b: {  	v10 =	vld [tilespmem:s14+$0xFFFFFFE0]  }
0x23c: {  	v3 =	vld [tilespmem:s14+$0x20]  }
.Ltmp5:
0x23d: {  	v4 =	vld [tilespmem:s14+$0xFFFFFFD0];
	(pc) =	sbr.rel @p1 .LBB2_14-.Ltmp5, $3  }
0x23e: {  	v5 =	vld [tilespmem:s14+$0x0];
	_ =	sdelay $0x1  }
0x23f: {  	v7 =	vmul.f32 v7, v2;
	v9 =	vmul.f32 v6, v2  }
0x240: {  	v8 =	vmul.f32 v8, v2;
	v6 =	vmul.f32 v10, v2  }
0x241: {  	[tilespmem:s10+$0x30] =	vst v9  }
0x242: {  	[tilespmem:s10+$0xFFFFFFC0] =	vst v7  }
0x243: {  	v1 =	vmul.f32 v1, v2;
	[tilespmem:s10+$0x10] =	vst v8  }
0x244: {  	v3 =	vmul.f32 v3, v2;
	[tilespmem:s10+$0xFFFFFFE0] =	vst v6  }
0x245: {  	v5 =	vmul.f32 v5, v2;
	[tilespmem:s10+$0xFFFFFFF0] =	vst v1  }
0x246: {  	v1 =	vmul.f32 v4, v2;
	[tilespmem:s10+$0x20] =	vst v3  }
0x247: {  	[tilespmem:s10+$0x0] =	vst v5  }
.Ltmp6:
0x248: {  	[tilespmem:s10+$0xFFFFFFD0] =	vst v1;
	(pc) =	sbr.rel @p0 .LBB2_7-.Ltmp6, $4  }
0x249: {  	[spmem:s2] =	stream.indirect.scatter.add.f32 [tilespmem:s16], [sflag:$0x5], $0x80, s4, s26, $0xb8;
	[tilespmem:$0x1F000] =	vst v63  }
0x24a: {  	_ =	swait.ge [sflag:s24], $0x2000  }
0x24b: {  	p1 =	por $0x0, $0x0;
	s13 =	simm.s32 $0x380;
	[sflag:s24] =	ssyncset.done $0x0  }
0x24c: {  	s10 =	simm.s32 $0x780;
	s4 =	simm.s32 $0x800;
	[sflag:s24] =	ssyncadd.s32 $0xFFFFE000  }
0x24d: {  	s0 =	sadd.s32 $0x1, s0  }
0x24e: {  	p0 =	sne.s32 s0, $0x14  }
.Ltmp7:
0x24f: {  	_ = 	snop;
	(pc) =	sbr.rel @p0 .LBB2_6-.Ltmp7, $1  }
0x250: {  	_ =	sdelay $0x3  }
0x251: {  	s0 =	rddreg [dreg:$0x10]  }
0x252: {  	[hbm4b:s0+s30] =	stream.strided.scatter [tilespmem:s21], [sflag:$0x5], $0x2780, s25, s30, $0x38;
	[tilespmem:$0x1F000] =	vst v63  }
0x253: {  	_ =	swait.ge [sflag:s24], $0x2780  }
0x254: {  	[sflag:s24] =	ssyncset.done $0x0  }
0x255: {  	[sflag:s24] =	ssyncadd.s32 $0xFFFFD880  }
0x256: {  	s13 =	stileid.u32;
	[bflag:$0x0] =	sbarrier.arrive $0xFFFF  }
0x257: {  	s0 =	sshll.u32 s13, $0x6;
	s13 =	rddreg [dreg:$0x6]  }
0x258: {  	s0 =	sor.u32 $0x1C05, s0;
	s7 =	rddreg [dreg:$0x11];
	s4 =	sshrl.u32 s13, $0x3  }
0x259: {  	[hbm:s7], [sflag:s0] =	dma.local [spmem:s4], $0x2780  }
0x25a: {  	_ =	swait.ge [sflag:s24], $0x2780  }
0x25b: {  	s14 =	rddreg [dreg:$0x4]  }
0x25c: {  	s15 =	rddreg [dreg:$0x12];
	s7 =	sadd.s32 $0x1, s14  }
0x25d: {  	p0 =	sne.s32 s7, s15  }
.Ltmp8:
0x25e: {  	_ = 	snop;
	(pc) =	sbr.rel @p0 .LBB2_1-.Ltmp8, $3  }
0x25f: {  	_ =	sdelay $0x1  }
0x260: {  	[sflag:s24] =	ssyncset.done $0x0  }
0x261: {  	[sflag:s24] =	ssyncadd.s32 $0xFFFFD880  }
0x262: {  	_ =	sfence.sel $0x180000  }
0x263: {  	[bflag:$0x0] =	sbarrier.arrive $0xFFFF  }
0x264: {  	_ =	strace $0x90000047  }
0x265: {  	s0 =	stileid.u32;
	[bflag:$0x2] =	sbarrier.arrive $0xFFFF  }
0x266: {  	p0 =	sne.s32 s0, $0x0;
	s0 =	rddreg [dreg:$0x3]  }
0x267: {  	s0 =	sadd.s32 @!p0 $0x100000, s0  }
0x268: {  	[sflag:s0] =	ssyncadd.tile.s32 @!p0 $0x1;
	_ =	shalt  }
.Lfunc_end2:
_tile_overlayer_lowered:
.L_overlay_start_2:
0x269: {  	(tag) =	ssettag $0x2  }
0x26a: {  	s0 =	rddreg [dreg:$0x0];
	s2 =	stileid.u32  }
0x26b: {  	s1 =	rddreg [dreg:$0x1];
	p0 =	sne.s32 s2, $0x0  }
0x26c: {  	s3 =	rddreg [dreg:$0x2];
	[bflag:$0x3] =	sbarrier.arrive $0xFFFF;
	s2 =	simm.s32 @!p0 $0x1C05  }
0x26d: {  	[timem:s3], [sflag:s2] =	dma.local @!p0 [hbm:s0], s1  }
0x26e: {  	s0 =	simm.s32 @!p0 $0x5  }
0x26f: {  	_ =	swait.ge @!p0 [sflag:s0], s1  }
0x270: {  	s1 =	ssub.s32 @!p0 $0x0, s1;
	[sflag:s0] =	ssyncset.done @!p0 $0x0  }
0x271: {  	[sflag:s0] =	ssyncadd.s32 @!p0 s1  }
0x272: {  	[bflag:$0x3] =	sbarrier.arrive $0xFFFF  }
0x273: {  	_ =	shalt  }

</sc_bundles>
